<compile_context>
chip_gen: v7x
topology: tpu7x:2x2x1
jax: 0.10.2.dev20260603
libtpu: 0.0.44.dev20260713+nightly
codegen_flags: <defaults>
</compile_context>

<pallas_src>
import functools

import jax
import jax.numpy as jnp
from jax import lax
from jax.experimental import pallas as pl
from jax.experimental.pallas import tpu as pltpu
from jax.experimental.pallas import tpu_sc as plsc

M_ROWS = 1_000_000
DIM = 32
LANES = 16
NUM_CORES = 2
NUM_SUBCORES = 16
NUM_WORKERS = NUM_CORES * NUM_SUBCORES

CHUNK = 512
CHUNKS_PER_WORKER = 50
NUM_CHUNKS = CHUNKS_PER_WORKER * NUM_WORKERS
ALIGNED = NUM_CHUNKS * CHUNK
TAIL = M_ROWS - ALIGNED
SCALE_ROWS = ALIGNED // 128
ROWS_PER_WORKER = CHUNKS_PER_WORKER * CHUNK // 128
GROUPS_PER_CHUNK = CHUNK // LANES
NBUF = 2

_mesh = plsc.VectorSubcoreMesh(core_axis_name="c", subcore_axis_name="s")


@functools.partial(
    pl.kernel,
    mesh=_mesh,
    out_type=jax.ShapeDtypeStruct((DIM, M_ROWS), jnp.float32),
    scratch_types=[
        pltpu.VMEM((NBUF, DIM, CHUNK), jnp.float32),
        pltpu.VMEM((NBUF, DIM, CHUNK), jnp.float32),
        pltpu.VMEM((ROWS_PER_WORKER, 128), jnp.float32),
        pltpu.SemaphoreType.DMA,
        pltpu.SemaphoreType.DMA,
        pltpu.SemaphoreType.DMA,
        pltpu.SemaphoreType.DMA,
        pltpu.SemaphoreType.DMA,
    ],
)
def _sc_scale_cols(gt_hbm, scale_hbm, out_hbm, gin, gout, sv2,
                   in_sem0, in_sem1, out_sem0, out_sem1, ssem):
    wid = lax.axis_index("s") * NUM_CORES + lax.axis_index("c")
    in_sems = (in_sem0, in_sem1)
    out_sems = (out_sem0, out_sem1)

    start_ch = wid * CHUNKS_PER_WORKER

    pltpu.async_copy(scale_hbm.at[pl.ds(start_ch * 4, ROWS_PER_WORKER), :],
                     sv2, ssem)

    def cbase_of(i):
        return (start_ch + i) * CHUNK

    def start_in(i, b):
        pltpu.async_copy(gt_hbm.at[:, pl.ds(cbase_of(i), CHUNK)], gin.at[b],
                         in_sems[b])

    def wait_in(i, b):
        pltpu.make_async_copy(gt_hbm.at[:, pl.ds(cbase_of(i), CHUNK)],
                              gin.at[b], in_sems[b]).wait()

    def start_out(i, b):
        pltpu.async_copy(gout.at[b], out_hbm.at[:, pl.ds(cbase_of(i), CHUNK)],
                         out_sems[b])

    def wait_out(i, b):
        pltpu.make_async_copy(gout.at[b],
                              out_hbm.at[:, pl.ds(cbase_of(i), CHUNK)],
                              out_sems[b]).wait()

    def compute(i, b):
        def group_body(j, carry):
            row = i * 4 + (j >> 3)
            off = (j & 7) * LANES
            sneg = 0.0 - sv2[row, pl.ds(off, LANES)]
            doff = j * LANES
            for d in range(DIM):
                gout[b, d, pl.ds(doff, LANES)] = (
                    sneg * gin[b, d, pl.ds(doff, LANES)])
            return carry

        lax.fori_loop(0, GROUPS_PER_CHUNK, group_body, 0)

    for b in range(NBUF):
        start_in(b, b)
    pltpu.make_async_copy(
        scale_hbm.at[pl.ds(start_ch * 4, ROWS_PER_WORKER), :],
        sv2, ssem).wait()

    def pair_body(t, carry):
        for b in range(NBUF):
            i = t * NBUF + b
            pl.when(i >= NBUF)(lambda b=b: wait_out(i - NBUF, b))
            wait_in(i, b)
            compute(i, b)
            start_out(i, b)
            pl.when(i + NBUF < CHUNKS_PER_WORKER)(
                lambda i=i, b=b: start_in(i + NBUF, b))
        return carry

    lax.fori_loop(0, CHUNKS_PER_WORKER // NBUF, pair_body, 0)

    for i in range(CHUNKS_PER_WORKER - NBUF, CHUNKS_PER_WORKER):
        wait_out(i, i % NBUF)


def kernel(benign_grads, scale, train_all):
    del train_all
    gt = benign_grads.T
    scale2d = scale[:ALIGNED, 0].reshape(SCALE_ROWS, 128)
    out_t = _sc_scale_cols(gt, scale2d)
    tail = -scale[ALIGNED:, :].T * gt[:, ALIGNED:]
    out_t = lax.dynamic_update_slice(out_t, tail, (0, ALIGNED))
    return out_t.T

# --- scband reference (transcript-rebuilt; emitter-appended) ---
"""Pipeline reference for scband-sign-atk-client-76020921140232 (READ-ONLY COPY).

The authoritative reference and input builder live on the scoring server;
editing this copy changes nothing except your own understanding.
"""

import jax, jax.numpy as jnp
import numpy as np

M_ITEM = 1000000
DIM = 32

def setup_inputs(seed: int = 0) -> dict:
    key = jax.random.key(seed)
    k1, k2 = jax.random.split(key, 2)
    benign_grads = jax.random.normal(k1, (M_ITEM, DIM), dtype=jnp.float32)
    scale = jax.random.uniform(k2, (M_ITEM, 1), dtype=jnp.float32)
    # module state: train_all = arange(m_item) (integer index constant)
    train_all = jnp.arange(M_ITEM, dtype=jnp.int64)
    return {"benign_grads": benign_grads, "scale": scale, "train_all": train_all}

def reference(benign_grads, scale, train_all):
    # signAtkClient.train_ with cnt >= atk_start_epoch (atk_start_epoch=0):
    # items_emb_grad = -scale[train_all] * benign_grads[train_all]
    scale_g = jnp.take(scale, train_all, axis=0)
    benign_g = jnp.take(benign_grads, train_all, axis=0)
    items_emb_grad = -scale_g * benign_g
    return items_emb_grad

if __name__ == "__main__":
    import jax
    _d = setup_inputs()
    print(jax.jit(kernel)(*tuple(_d.values())))

</pallas_src>

<mosaic_0001>
#map = affine_map<(d0, d1) -> (0, 0)>
module attributes {stable_mosaic.version = 14 : i64} {
  func.func @_sc_scale_cols(%arg0: i32, %arg1: i32, %arg2: memref<32x1000000xf32, #tpu.memory_space<hbm>>, %arg3: memref<6400x128xf32, #tpu.memory_space<hbm>>, %arg4: memref<32x1000000xf32, #tpu.memory_space<hbm>>, %arg5: memref<2x32x512xf32, #tpu.memory_space<vmem>>, %arg6: memref<2x32x512xf32, #tpu.memory_space<vmem>>, %arg7: memref<200x128xf32, #tpu.memory_space<vmem>>, %arg8: memref<!tpu.dma_semaphore, #tpu.memory_space<semaphore_mem>>, %arg9: memref<!tpu.dma_semaphore, #tpu.memory_space<semaphore_mem>>, %arg10: memref<!tpu.dma_semaphore, #tpu.memory_space<semaphore_mem>>, %arg11: memref<!tpu.dma_semaphore, #tpu.memory_space<semaphore_mem>>, %arg12: memref<!tpu.dma_semaphore, #tpu.memory_space<semaphore_mem>>) attributes {dimension_semantics = [#tpu.dimension_semantics<core_parallel>, #tpu.dimension_semantics<subcore_parallel>], iteration_bounds = array<i64: 2, 16>, scalar_prefetch = 0 : i64, scratch_operands = 8 : i64, tpu.core_type = #tpu.core_type<sc_vector_subcore>, window_params = [{transform_indices = #map}, {transform_indices = #map}, {transform_indices = #map}]} {
    %mul3A = arith.constant 2 : i32
    %mul3A_0 = arith.muli %arg1, %mul3A : i32
    %add3A = arith.addi %mul3A_0, %arg0 : i32
    %mul3A_1 = arith.constant 50 : i32
    %mul3A_2 = arith.muli %add3A, %mul3A_1 : i32
    %mul3A_3 = arith.constant 4 : i32
    %mul3A_4 = arith.muli %mul3A_2, %mul3A_3 : i32
    %dma_start3A = arith.constant 0 : i32
    %dma_start3A_5 = tpu.memref_slice %arg3[%mul3A_4, %dma_start3A] : memref<6400x128xf32, #tpu.memory_space<hbm>> -> memref<200x128xf32, #tpu.memory_space<hbm>>
    %dma_start3A_6 = arith.constant 0 : i32
    %dma_start3A_7 = tpu.memref_slice %arg3[%mul3A_4, %dma_start3A_6] : memref<6400x128xf32, #tpu.memory_space<hbm>> -> memref<200x128xf32, #tpu.memory_space<hbm>>
    tpu.enqueue_dma source(%dma_start3A_7 : memref<200x128xf32, #tpu.memory_space<hbm>>) target(%arg7 : memref<200x128xf32, #tpu.memory_space<vmem>>) target_semaphore(%arg12 : memref<!tpu.dma_semaphore, #tpu.memory_space<semaphore_mem>>)
    %add3A_8 = arith.constant 0 : i32
    %add3A_9 = arith.addi %mul3A_2, %add3A_8 : i32
    %mul3A_10 = arith.constant 512 : i32
    %mul3A_11 = arith.muli %add3A_9, %mul3A_10 : i32
    %dma_start3A_12 = arith.constant 0 : i32
    %dma_start3A_13 = arith.constant 0 : i32
    %dma_start3A_14 = arith.constant 0 : i32
    %dma_start3A_15 = tpu.memref_slice %arg5[%dma_start3A_12, %dma_start3A_13, %dma_start3A_14] : memref<2x32x512xf32, #tpu.memory_space<vmem>> -> memref<1x32x512xf32, #tpu.memory_space<vmem>>
    %dma_start3A_16 = tpu.memref_squeeze %dma_start3A_15 : memref<1x32x512xf32, #tpu.memory_space<vmem>> -> memref<32x512xf32, #tpu.memory_space<vmem>>
    %dma_start3A_17 = arith.constant 0 : i32
    %dma_start3A_18 = tpu.memref_slice %arg2[%dma_start3A_17, %mul3A_11] : memref<32x1000000xf32, #tpu.memory_space<hbm>> -> memref<32x512xf32, #tpu.memory_space<hbm>>
    %dma_start3A_19 = arith.constant 0 : i32
    %dma_start3A_20 = arith.constant 0 : i32
    %dma_start3A_21 = tpu.memref_slice %arg5[%dma_start3A_12, %dma_start3A_19, %dma_start3A_20] : memref<2x32x512xf32, #tpu.memory_space<vmem>> -> memref<1x32x512xf32, #tpu.memory_space<vmem>>
    %dma_start3A_22 = tpu.memref_squeeze %dma_start3A_21 : memref<1x32x512xf32, #tpu.memory_space<vmem>> -> memref<32x512xf32, #tpu.memory_space<vmem>>
    %dma_start3A_23 = arith.constant 0 : i32
    %dma_start3A_24 = tpu.memref_slice %arg2[%dma_start3A_23, %mul3A_11] : memref<32x1000000xf32, #tpu.memory_space<hbm>> -> memref<32x512xf32, #tpu.memory_space<hbm>>
    tpu.enqueue_dma source(%dma_start3A_24 : memref<32x512xf32, #tpu.memory_space<hbm>>) target(%dma_start3A_22 : memref<32x512xf32, #tpu.memory_space<vmem>>) target_semaphore(%arg8 : memref<!tpu.dma_semaphore, #tpu.memory_space<semaphore_mem>>)
    %add3A_25 = arith.constant 1 : i32
    %add3A_26 = arith.addi %mul3A_2, %add3A_25 : i32
    %mul3A_27 = arith.constant 512 : i32
    %mul3A_28 = arith.muli %add3A_26, %mul3A_27 : i32
    %dma_start3A_29 = arith.constant 1 : i32
    %dma_start3A_30 = arith.constant 0 : i32
    %dma_start3A_31 = arith.constant 0 : i32
    %dma_start3A_32 = tpu.memref_slice %arg5[%dma_start3A_29, %dma_start3A_30, %dma_start3A_31] : memref<2x32x512xf32, #tpu.memory_space<vmem>> -> memref<1x32x512xf32, #tpu.memory_space<vmem>>
    %dma_start3A_33 = tpu.memref_squeeze %dma_start3A_32 : memref<1x32x512xf32, #tpu.memory_space<vmem>> -> memref<32x512xf32, #tpu.memory_space<vmem>>
    %dma_start3A_34 = arith.constant 0 : i32
    %dma_start3A_35 = tpu.memref_slice %arg2[%dma_start3A_34, %mul3A_28] : memref<32x1000000xf32, #tpu.memory_space<hbm>> -> memref<32x512xf32, #tpu.memory_space<hbm>>
    %dma_start3A_36 = arith.constant 0 : i32
    %dma_start3A_37 = arith.constant 0 : i32
    %dma_start3A_38 = tpu.memref_slice %arg5[%dma_start3A_29, %dma_start3A_36, %dma_start3A_37] : memref<2x32x512xf32, #tpu.memory_space<vmem>> -> memref<1x32x512xf32, #tpu.memory_space<vmem>>
    %dma_start3A_39 = tpu.memref_squeeze %dma_start3A_38 : memref<1x32x512xf32, #tpu.memory_space<vmem>> -> memref<32x512xf32, #tpu.memory_space<vmem>>
    %dma_start3A_40 = arith.constant 0 : i32
    %dma_start3A_41 = tpu.memref_slice %arg2[%dma_start3A_40, %mul3A_28] : memref<32x1000000xf32, #tpu.memory_space<hbm>> -> memref<32x512xf32, #tpu.memory_space<hbm>>
    tpu.enqueue_dma source(%dma_start3A_41 : memref<32x512xf32, #tpu.memory_space<hbm>>) target(%dma_start3A_39 : memref<32x512xf32, #tpu.memory_space<vmem>>) target_semaphore(%arg9 : memref<!tpu.dma_semaphore, #tpu.memory_space<semaphore_mem>>)
    %mul3A_42 = arith.constant 4 : i32
    %mul3A_43 = arith.muli %mul3A_2, %mul3A_42 : i32
    %dma_wait3A = arith.constant 0 : i32
    %dma_wait3A_44 = tpu.memref_slice %arg3[%mul3A_43, %dma_wait3A] : memref<6400x128xf32, #tpu.memory_space<hbm>> -> memref<200x128xf32, #tpu.memory_space<hbm>>
    %dma_wait3A_45 = arith.constant 0 : i32
    %dma_wait3A_46 = tpu.memref_slice %arg3[%mul3A_43, %dma_wait3A_45] : memref<6400x128xf32, #tpu.memory_space<hbm>> -> memref<200x128xf32, #tpu.memory_space<hbm>>
    tpu.wait_dma2 semaphore(%arg12 : memref<!tpu.dma_semaphore, #tpu.memory_space<semaphore_mem>>) src(%dma_wait3A_46 : memref<200x128xf32, #tpu.memory_space<hbm>>) dst(%arg7 : memref<200x128xf32, #tpu.memory_space<vmem>>)
    %scan3A = arith.constant 0 : i32
    %scan3A_47 = arith.constant 0 : i32
    %scan3A_48 = arith.constant 25 : i32
    %scan3A_49 = arith.addi %scan3A_47, %scan3A_48 : i32
    %scan3A_50 = arith.constant 1 : i32
    scf.for %scan3A_86 = %scan3A_47 to %scan3A_49 step %scan3A_50  : i32 {
      %mul3A_87 = arith.constant 2 : i32
      %mul3A_88 = arith.muli %scan3A_86, %mul3A_87 : i32
      %add3A_89 = arith.constant 0 : i32
      %add3A_90 = arith.addi %mul3A_88, %add3A_89 : i32
      %ge3A = arith.constant 2 : i32
      %ge3A_91 = arith.cmpi sge, %add3A_90, %ge3A : i32
      %convert_element_type3A = arith.extui %ge3A_91 : i1 to i32
      %cond3A = arith.constant 0 : i32
      %cond3A_92 = arith.cmpi ne, %convert_element_type3A, %cond3A : i32
      scf.if %cond3A_92 {
        %sub3A = arith.constant 2 : i32
        %sub3A_191 = arith.subi %add3A_90, %sub3A : i32
        %add3A_192 = arith.addi %mul3A_2, %sub3A_191 : i32
        %mul3A_193 = arith.constant 512 : i32
        %mul3A_194 = arith.muli %add3A_192, %mul3A_193 : i32
        %dma_wait3A_195 = arith.constant 0 : i32
        %dma_wait3A_196 = arith.constant 0 : i32
        %dma_wait3A_197 = arith.constant 0 : i32
        %dma_wait3A_198 = tpu.memref_slice %arg6[%dma_wait3A_195, %dma_wait3A_196, %dma_wait3A_197] : memref<2x32x512xf32, #tpu.memory_space<vmem>> -> memref<1x32x512xf32, #tpu.memory_space<vmem>>
        %dma_wait3A_199 = tpu.memref_squeeze %dma_wait3A_198 : memref<1x32x512xf32, #tpu.memory_space<vmem>> -> memref<32x512xf32, #tpu.memory_space<vmem>>
        %dma_wait3A_200 = arith.constant 0 : i32
        %dma_wait3A_201 = tpu.memref_slice %arg4[%dma_wait3A_200, %mul3A_194] : memref<32x1000000xf32, #tpu.memory_space<hbm>> -> memref<32x512xf32, #tpu.memory_space<hbm>>
        %dma_wait3A_202 = arith.constant 0 : i32
        %dma_wait3A_203 = tpu.memref_slice %arg4[%dma_wait3A_202, %mul3A_194] : memref<32x1000000xf32, #tpu.memory_space<hbm>> -> memref<32x512xf32, #tpu.memory_space<hbm>>
        %dma_wait3A_204 = arith.constant 0 : i32
        %dma_wait3A_205 = arith.constant 0 : i32
        %dma_wait3A_206 = tpu.memref_slice %arg6[%dma_wait3A_195, %dma_wait3A_204, %dma_wait3A_205] : memref<2x32x512xf32, #tpu.memory_space<vmem>> -> memref<1x32x512xf32, #tpu.memory_space<vmem>>
        %dma_wait3A_207 = tpu.memref_squeeze %dma_wait3A_206 : memref<1x32x512xf32, #tpu.memory_space<vmem>> -> memref<32x512xf32, #tpu.memory_space<vmem>>
        tpu.wait_dma2 semaphore(%arg10 : memref<!tpu.dma_semaphore, #tpu.memory_space<semaphore_mem>>) src(%dma_wait3A_207 : memref<32x512xf32, #tpu.memory_space<vmem>>) dst(%dma_wait3A_203 : memref<32x512xf32, #tpu.memory_space<hbm>>)
      } else {
      }
      %add3A_93 = arith.addi %mul3A_2, %add3A_90 : i32
      %mul3A_94 = arith.constant 512 : i32
      %mul3A_95 = arith.muli %add3A_93, %mul3A_94 : i32
      %dma_wait3A_96 = arith.constant 0 : i32
      %dma_wait3A_97 = arith.constant 0 : i32
      %dma_wait3A_98 = arith.constant 0 : i32
      %dma_wait3A_99 = tpu.memref_slice %arg5[%dma_wait3A_96, %dma_wait3A_97, %dma_wait3A_98] : memref<2x32x512xf32, #tpu.memory_space<vmem>> -> memref<1x32x512xf32, #tpu.memory_space<vmem>>
      %dma_wait3A_100 = tpu.memref_squeeze %dma_wait3A_99 : memref<1x32x512xf32, #tpu.memory_space<vmem>> -> memref<32x512xf32, #tpu.memory_space<vmem>>
      %dma_wait3A_101 = arith.constant 0 : i32
      %dma_wait3A_102 = tpu.memref_slice %arg2[%dma_wait3A_101, %mul3A_95] : memref<32x1000000xf32, #tpu.memory_space<hbm>> -> memref<32x512xf32, #tpu.memory_space<hbm>>
      %dma_wait3A_103 = arith.constant 0 : i32
      %dma_wait3A_104 = arith.constant 0 : i32
      %dma_wait3A_105 = tpu.memref_slice %arg5[%dma_wait3A_96, %dma_wait3A_103, %dma_wait3A_104] : memref<2x32x512xf32, #tpu.memory_space<vmem>> -> memref<1x32x512xf32, #tpu.memory_space<vmem>>
      %dma_wait3A_106 = tpu.memref_squeeze %dma_wait3A_105 : memref<1x32x512xf32, #tpu.memory_space<vmem>> -> memref<32x512xf32, #tpu.memory_space<vmem>>
      %dma_wait3A_107 = arith.constant 0 : i32
      %dma_wait3A_108 = tpu.memref_slice %arg2[%dma_wait3A_107, %mul3A_95] : memref<32x1000000xf32, #tpu.memory_space<hbm>> -> memref<32x512xf32, #tpu.memory_space<hbm>>
      tpu.wait_dma2 semaphore(%arg8 : memref<!tpu.dma_semaphore, #tpu.memory_space<semaphore_mem>>) src(%dma_wait3A_108 : memref<32x512xf32, #tpu.memory_space<hbm>>) dst(%dma_wait3A_106 : memref<32x512xf32, #tpu.memory_space<vmem>>)
      %scan3A_109 = arith.constant 0 : i32
      %scan3A_110 = arith.constant 0 : i32
      %scan3A_111 = arith.constant 32 : i32
      %scan3A_112 = arith.addi %scan3A_110, %scan3A_111 : i32
      %scan3A_113 = arith.constant 1 : i32
      scf.for %scan3A_191 = %scan3A_110 to %scan3A_112 step %scan3A_113  : i32 {
        %mul3A_192 = arith.constant 4 : i32
        %mul3A_193 = arith.muli %add3A_90, %mul3A_192 : i32
        %shift_right_arithmetic3A = arith.constant 3 : i32
        %shift_right_arithmetic3A_194 = arith.shrsi %scan3A_191, %shift_right_arithmetic3A : i32
        %add3A_195 = arith.addi %mul3A_193, %shift_right_arithmetic3A_194 : i32
        %and3A = arith.constant 7 : i32
        %and3A_196 = arith.andi %scan3A_191, %and3A : i32
        %mul3A_197 = arith.constant 16 : i32
        %mul3A_198 = arith.muli %and3A_196, %mul3A_197 : i32
        %get3A = arith.index_cast %add3A_195 : i32 to index
        %get3A_199 = arith.index_cast %mul3A_198 : i32 to index
        %get3A_200 = tpu.vector_load %arg7[%get3A, %get3A_199] {strides = array<i32>} : memref<200x128xf32, #tpu.memory_space<vmem>>, vector<1x16xf32>,
        %get3A_201 = vector.shape_cast %get3A_200 : vector<1x16xf32> to vector<16xf32>
        %sub3A = arith.constant 0.000000e+00 : f32
        %sub3A_202 = vector.broadcast %sub3A : f32 to vector<16xf32>
        %sub3A_203 = arith.subf %sub3A_202, %get3A_201 : vector<16xf32>
        %mul3A_204 = arith.constant 16 : i32
        %mul3A_205 = arith.muli %scan3A_191, %mul3A_204 : i32
        %get3A_206 = arith.constant 0 : i32
        %get3A_207 = arith.constant 0 : i32
        %get3A_208 = arith.index_cast %get3A_206 : i32 to index
        %get3A_209 = arith.index_cast %get3A_207 : i32 to index
        %get3A_210 = arith.index_cast %mul3A_205 : i32 to index
        %get3A_211 = tpu.vector_load %arg5[%get3A_208, %get3A_209, %get3A_210] {strides = array<i32>} : memref<2x32x512xf32, #tpu.memory_space<vmem>>, vector<1x1x16xf32>,
        %get3A_212 = vector.shape_cast %get3A_211 : vector<1x1x16xf32> to vector<16xf32>
        %mul3A_213 = arith.mulf %sub3A_203, %get3A_212 : vector<16xf32>
        %swap3A = arith.constant 0 : i32
        %swap3A_214 = arith.constant 0 : i32
        %swap3A_215 = arith.index_cast %swap3A : i32 to index
        %swap3A_216 = arith.index_cast %swap3A_214 : i32 to index
        %swap3A_217 = arith.index_cast %mul3A_205 : i32 to index
        %swap3A_218 = tpu.vector_load %arg6[%swap3A_215, %swap3A_216, %swap3A_217] {strides = array<i32>} : memref<2x32x512xf32, #tpu.memory_space<vmem>>, vector<1x1x16xf32>,
        %swap3A_219 = vector.shape_cast %swap3A_218 : vector<1x1x16xf32> to vector<16xf32>
        %swap3A_220 = vector.shape_cast %mul3A_213 : vector<16xf32> to vector<1x1x16xf32>
        tpu.vector_store %arg6[%swap3A_215, %swap3A_216, %swap3A_217], %swap3A_220 {strides = array<i32>} : memref<2x32x512xf32, #tpu.memory_space<vmem>>, vector<1x1x16xf32>,
        %get3A_221 = arith.constant 0 : i32
        %get3A_222 = arith.constant 1 : i32
        %get3A_223 = arith.index_cast %get3A_221 : i32 to index
        %get3A_224 = arith.index_cast %get3A_222 : i32 to index
        %get3A_225 = arith.index_cast %mul3A_205 : i32 to index
        %get3A_226 = tpu.vector_load %arg5[%get3A_223, %get3A_224, %get3A_225] {strides = array<i32>} : memref<2x32x512xf32, #tpu.memory_space<vmem>>, vector<1x1x16xf32>,
        %get3A_227 = vector.shape_cast %get3A_226 : vector<1x1x16xf32> to vector<16xf32>
        %mul3A_228 = arith.mulf %sub3A_203, %get3A_227 : vector<16xf32>
        %swap3A_229 = arith.constant 0 : i32
        %swap3A_230 = arith.constant 1 : i32
        %swap3A_231 = arith.index_cast %swap3A_229 : i32 to index
        %swap3A_232 = arith.index_cast %swap3A_230 : i32 to index
        %swap3A_233 = arith.index_cast %mul3A_205 : i32 to index
        %swap3A_234 = tpu.vector_load %arg6[%swap3A_231, %swap3A_232, %swap3A_233] {strides = array<i32>} : memref<2x32x512xf32, #tpu.memory_space<vmem>>, vector<1x1x16xf32>,
        %swap3A_235 = vector.shape_cast %swap3A_234 : vector<1x1x16xf32> to vector<16xf32>
        %swap3A_236 = vector.shape_cast %mul3A_228 : vector<16xf32> to vector<1x1x16xf32>
        tpu.vector_store %arg6[%swap3A_231, %swap3A_232, %swap3A_233], %swap3A_236 {strides = array<i32>} : memref<2x32x512xf32, #tpu.memory_space<vmem>>, vector<1x1x16xf32>,
        %get3A_237 = arith.constant 0 : i32
        %get3A_238 = arith.constant 2 : i32
        %get3A_239 = arith.index_cast %get3A_237 : i32 to index
        %get3A_240 = arith.index_cast %get3A_238 : i32 to index
        %get3A_241 = arith.index_cast %mul3A_205 : i32 to index
        %get3A_242 = tpu.vector_load %arg5[%get3A_239, %get3A_240, %get3A_241] {strides = array<i32>} : memref<2x32x512xf32, #tpu.memory_space<vmem>>, vector<1x1x16xf32>,
        %get3A_243 = vector.shape_cast %get3A_242 : vector<1x1x16xf32> to vector<16xf32>
        %mul3A_244 = arith.mulf %sub3A_203, %get3A_243 : vector<16xf32>
        %swap3A_245 = arith.constant 0 : i32
        %swap3A_246 = arith.constant 2 : i32
        %swap3A_247 = arith.index_cast %swap3A_245 : i32 to index
        %swap3A_248 = arith.index_cast %swap3A_246 : i32 to index
        %swap3A_249 = arith.index_cast %mul3A_205 : i32 to index
        %swap3A_250 = tpu.vector_load %arg6[%swap3A_247, %swap3A_248, %swap3A_249] {strides = array<i32>} : memref<2x32x512xf32, #tpu.memory_space<vmem>>, vector<1x1x16xf32>,
        %swap3A_251 = vector.shape_cast %swap3A_250 : vector<1x1x16xf32> to vector<16xf32>
        %swap3A_252 = vector.shape_cast %mul3A_244 : vector<16xf32> to vector<1x1x16xf32>
        tpu.vector_store %arg6[%swap3A_247, %swap3A_248, %swap3A_249], %swap3A_252 {strides = array<i32>} : memref<2x32x512xf32, #tpu.memory_space<vmem>>, vector<1x1x16xf32>,
        %get3A_253 = arith.constant 0 : i32
        %get3A_254 = arith.constant 3 : i32
        %get3A_255 = arith.index_cast %get3A_253 : i32 to index
        %get3A_256 = arith.index_cast %get3A_254 : i32 to index
        %get3A_257 = arith.index_cast %mul3A_205 : i32 to index
        %get3A_258 = tpu.vector_load %arg5[%get3A_255, %get3A_256, %get3A_257] {strides = array<i32>} : memref<2x32x512xf32, #tpu.memory_space<vmem>>, vector<1x1x16xf32>,
        %get3A_259 = vector.shape_cast %get3A_258 : vector<1x1x16xf32> to vector<16xf32>
        %mul3A_260 = arith.mulf %sub3A_203, %get3A_259 : vector<16xf32>
        %swap3A_261 = arith.constant 0 : i32
        %swap3A_262 = arith.constant 3 : i32
        %swap3A_263 = arith.index_cast %swap3A_261 : i32 to index
        %swap3A_264 = arith.index_cast %swap3A_262 : i32 to index
        %swap3A_265 = arith.index_cast %mul3A_205 : i32 to index
        %swap3A_266 = tpu.vector_load %arg6[%swap3A_263, %swap3A_264, %swap3A_265] {strides = array<i32>} : memref<2x32x512xf32, #tpu.memory_space<vmem>>, vector<1x1x16xf32>,
        %swap3A_267 = vector.shape_cast %swap3A_266 : vector<1x1x16xf32> to vector<16xf32>
        %swap3A_268 = vector.shape_cast %mul3A_260 : vector<16xf32> to vector<1x1x16xf32>
        tpu.vector_store %arg6[%swap3A_263, %swap3A_264, %swap3A_265], %swap3A_268 {strides = array<i32>} : memref<2x32x512xf32, #tpu.memory_space<vmem>>, vector<1x1x16xf32>,
        %get3A_269 = arith.constant 0 : i32
        %get3A_270 = arith.constant 4 : i32
        %get3A_271 = arith.index_cast %get3A_269 : i32 to index
        %get3A_272 = arith.index_cast %get3A_270 : i32 to index
        %get3A_273 = arith.index_cast %mul3A_205 : i32 to index
        %get3A_274 = tpu.vector_load %arg5[%get3A_271, %get3A_272, %get3A_273] {strides = array<i32>} : memref<2x32x512xf32, #tpu.memory_space<vmem>>, vector<1x1x16xf32>,
        %get3A_275 = vector.shape_cast %get3A_274 : vector<1x1x16xf32> to vector<16xf32>
        %mul3A_276 = arith.mulf %sub3A_203, %get3A_275 : vector<16xf32>
        %swap3A_277 = arith.constant 0 : i32
        %swap3A_278 = arith.constant 4 : i32
        %swap3A_279 = arith.index_cast %swap3A_277 : i32 to index
        %swap3A_280 = arith.index_cast %swap3A_278 : i32 to index
        %swap3A_281 = arith.index_cast %mul3A_205 : i32 to index
        %swap3A_282 = tpu.vector_load %arg6[%swap3A_279, %swap3A_280, %swap3A_281] {strides = array<i32>} : memref<2x32x512xf32, #tpu.memory_space<vmem>>, vector<1x1x16xf32>,
        %swap3A_283 = vector.shape_cast %swap3A_282 : vector<1x1x16xf32> to vector<16xf32>
        %swap3A_284 = vector.shape_cast %mul3A_276 : vector<16xf32> to vector<1x1x16xf32>
        tpu.vector_store %arg6[%swap3A_279, %swap3A_280, %swap3A_281], %swap3A_284 {strides = array<i32>} : memref<2x32x512xf32, #tpu.memory_space<vmem>>, vector<1x1x16xf32>,
        %get3A_285 = arith.constant 0 : i32
        %get3A_286 = arith.constant 5 : i32
        %get3A_287 = arith.index_cast %get3A_285 : i32 to index
        %get3A_288 = arith.index_cast %get3A_286 : i32 to index
        %get3A_289 = arith.index_cast %mul3A_205 : i32 to index
        %get3A_290 = tpu.vector_load %arg5[%get3A_287, %get3A_288, %get3A_289] {strides = array<i32>} : memref<2x32x512xf32, #tpu.memory_space<vmem>>, vector<1x1x16xf32>,
        %get3A_291 = vector.shape_cast %get3A_290 : vector<1x1x16xf32> to vector<16xf32>
        %mul3A_292 = arith.mulf %sub3A_203, %get3A_291 : vector<16xf32>
        %swap3A_293 = arith.constant 0 : i32
        %swap3A_294 = arith.constant 5 : i32
        %swap3A_295 = arith.index_cast %swap3A_293 : i32 to index
        %swap3A_296 = arith.index_cast %swap3A_294 : i32 to index
        %swap3A_297 = arith.index_cast %mul3A_205 : i32 to index
        %swap3A_298 = tpu.vector_load %arg6[%swap3A_295, %swap3A_296, %swap3A_297] {strides = array<i32>} : memref<2x32x512xf32, #tpu.memory_space<vmem>>, vector<1x1x16xf32>,
        %swap3A_299 = vector.shape_cast %swap3A_298 : vector<1x1x16xf32> to vector<16xf32>
        %swap3A_300 = vector.shape_cast %mul3A_292 : vector<16xf32> to vector<1x1x16xf32>
        tpu.vector_store %arg6[%swap3A_295, %swap3A_296, %swap3A_297], %swap3A_300 {strides = array<i32>} : memref<2x32x512xf32, #tpu.memory_space<vmem>>, vector<1x1x16xf32>,
        %get3A_301 = arith.constant 0 : i32
        %get3A_302 = arith.constant 6 : i32
        %get3A_303 = arith.index_cast %get3A_301 : i32 to index
        %get3A_304 = arith.index_cast %get3A_302 : i32 to index
        %get3A_305 = arith.index_cast %mul3A_205 : i32 to index
        %get3A_306 = tpu.vector_load %arg5[%get3A_303, %get3A_304, %get3A_305] {strides = array<i32>} : memref<2x32x512xf32, #tpu.memory_space<vmem>>, vector<1x1x16xf32>,
        %get3A_307 = vector.shape_cast %get3A_306 : vector<1x1x16xf32> to vector<16xf32>
        %mul3A_308 = arith.mulf %sub3A_203, %get3A_307 : vector<16xf32>
        %swap3A_309 = arith.constant 0 : i32
        %swap3A_310 = arith.constant 6 : i32
        %swap3A_311 = arith.index_cast %swap3A_309 : i32 to index
        %swap3A_312 = arith.index_cast %swap3A_310 : i32 to index
        %swap3A_313 = arith.index_cast %mul3A_205 : i32 to index
        %swap3A_314 = tpu.vector_load %arg6[%swap3A_311, %swap3A_312, %swap3A_313] {strides = array<i32>} : memref<2x32x512xf32, #tpu.memory_space<vmem>>, vector<1x1x16xf32>,
        %swap3A_315 = vector.shape_cast %swap3A_314 : vector<1x1x16xf32> to vector<16xf32>
        %swap3A_316 = vector.shape_cast %mul3A_308 : vector<16xf32> to vector<1x1x16xf32>
        tpu.vector_store %arg6[%swap3A_311, %swap3A_312, %swap3A_313], %swap3A_316 {strides = array<i32>} : memref<2x32x512xf32, #tpu.memory_space<vmem>>, vector<1x1x16xf32>,
        %get3A_317 = arith.constant 0 : i32
        %get3A_318 = arith.constant 7 : i32
        %get3A_319 = arith.index_cast %get3A_317 : i32 to index
        %get3A_320 = arith.index_cast %get3A_318 : i32 to index
        %get3A_321 = arith.index_cast %mul3A_205 : i32 to index
        %get3A_322 = tpu.vector_load %arg5[%get3A_319, %get3A_320, %get3A_321] {strides = array<i32>} : memref<2x32x512xf32, #tpu.memory_space<vmem>>, vector<1x1x16xf32>,
        %get3A_323 = vector.shape_cast %get3A_322 : vector<1x1x16xf32> to vector<16xf32>
        %mul3A_324 = arith.mulf %sub3A_203, %get3A_323 : vector<16xf32>
        %swap3A_325 = arith.constant 0 : i32
        %swap3A_326 = arith.constant 7 : i32
        %swap3A_327 = arith.index_cast %swap3A_325 : i32 to index
        %swap3A_328 = arith.index_cast %swap3A_326 : i32 to index
        %swap3A_329 = arith.index_cast %mul3A_205 : i32 to index
        %swap3A_330 = tpu.vector_load %arg6[%swap3A_327, %swap3A_328, %swap3A_329] {strides = array<i32>} : memref<2x32x512xf32, #tpu.memory_space<vmem>>, vector<1x1x16xf32>,
        %swap3A_331 = vector.shape_cast %swap3A_330 : vector<1x1x16xf32> to vector<16xf32>
        %swap3A_332 = vector.shape_cast %mul3A_324 : vector<16xf32> to vector<1x1x16xf32>
        tpu.vector_store %arg6[%swap3A_327, %swap3A_328, %swap3A_329], %swap3A_332 {strides = array<i32>} : memref<2x32x512xf32, #tpu.memory_space<vmem>>, vector<1x1x16xf32>,
        %get3A_333 = arith.constant 0 : i32
        %get3A_334 = arith.constant 8 : i32
        %get3A_335 = arith.index_cast %get3A_333 : i32 to index
        %get3A_336 = arith.index_cast %get3A_334 : i32 to index
        %get3A_337 = arith.index_cast %mul3A_205 : i32 to index
        %get3A_338 = tpu.vector_load %arg5[%get3A_335, %get3A_336, %get3A_337] {strides = array<i32>} : memref<2x32x512xf32, #tpu.memory_space<vmem>>, vector<1x1x16xf32>,
        %get3A_339 = vector.shape_cast %get3A_338 : vector<1x1x16xf32> to vector<16xf32>
        %mul3A_340 = arith.mulf %sub3A_203, %get3A_339 : vector<16xf32>
        %swap3A_341 = arith.constant 0 : i32
        %swap3A_342 = arith.constant 8 : i32
        %swap3A_343 = arith.index_cast %swap3A_341 : i32 to index
        %swap3A_344 = arith.index_cast %swap3A_342 : i32 to index
        %swap3A_345 = arith.index_cast %mul3A_205 : i32 to index
        %swap3A_346 = tpu.vector_load %arg6[%swap3A_343, %swap3A_344, %swap3A_345] {strides = array<i32>} : memref<2x32x512xf32, #tpu.memory_space<vmem>>, vector<1x1x16xf32>,
        %swap3A_347 = vector.shape_cast %swap3A_346 : vector<1x1x16xf32> to vector<16xf32>
        %swap3A_348 = vector.shape_cast %mul3A_340 : vector<16xf32> to vector<1x1x16xf32>
        tpu.vector_store %arg6[%swap3A_343, %swap3A_344, %swap3A_345], %swap3A_348 {strides = array<i32>} : memref<2x32x512xf32, #tpu.memory_space<vmem>>, vector<1x1x16xf32>,
        %get3A_349 = arith.constant 0 : i32
        %get3A_350 = arith.constant 9 : i32
        %get3A_351 = arith.index_cast %get3A_349 : i32 to index
        %get3A_352 = arith.index_cast %get3A_350 : i32 to index
        %get3A_353 = arith.index_cast %mul3A_205 : i32 to index
        %get3A_354 = tpu.vector_load %arg5[%get3A_351, %get3A_352, %get3A_353] {strides = array<i32>} : memref<2x32x512xf32, #tpu.memory_space<vmem>>, vector<1x1x16xf32>,
        %get3A_355 = vector.shape_cast %get3A_354 : vector<1x1x16xf32> to vector<16xf32>
        %mul3A_356 = arith.mulf %sub3A_203, %get3A_355 : vector<16xf32>
        %swap3A_357 = arith.constant 0 : i32
        %swap3A_358 = arith.constant 9 : i32
        %swap3A_359 = arith.index_cast %swap3A_357 : i32 to index
        %swap3A_360 = arith.index_cast %swap3A_358 : i32 to index
        %swap3A_361 = arith.index_cast %mul3A_205 : i32 to index
        %swap3A_362 = tpu.vector_load %arg6[%swap3A_359, %swap3A_360, %swap3A_361] {strides = array<i32>} : memref<2x32x512xf32, #tpu.memory_space<vmem>>, vector<1x1x16xf32>,
        %swap3A_363 = vector.shape_cast %swap3A_362 : vector<1x1x16xf32> to vector<16xf32>
        %swap3A_364 = vector.shape_cast %mul3A_356 : vector<16xf32> to vector<1x1x16xf32>
        tpu.vector_store %arg6[%swap3A_359, %swap3A_360, %swap3A_361], %swap3A_364 {strides = array<i32>} : memref<2x32x512xf32, #tpu.memory_space<vmem>>, vector<1x1x16xf32>,
        %get3A_365 = arith.constant 0 : i32
        %get3A_366 = arith.constant 10 : i32
        %get3A_367 = arith.index_cast %get3A_365 : i32 to index
        %get3A_368 = arith.index_cast %get3A_366 : i32 to index
        %get3A_369 = arith.index_cast %mul3A_205 : i32 to index
        %get3A_370 = tpu.vector_load %arg5[%get3A_367, %get3A_368, %get3A_369] {strides = array<i32>} : memref<2x32x512xf32, #tpu.memory_space<vmem>>, vector<1x1x16xf32>,
        %get3A_371 = vector.shape_cast %get3A_370 : vector<1x1x16xf32> to vector<16xf32>
        %mul3A_372 = arith.mulf %sub3A_203, %get3A_371 : vector<16xf32>
        %swap3A_373 = arith.constant 0 : i32
        %swap3A_374 = arith.constant 10 : i32
        %swap3A_375 = arith.index_cast %swap3A_373 : i32 to index
        %swap3A_376 = arith.index_cast %swap3A_374 : i32 to index
        %swap3A_377 = arith.index_cast %mul3A_205 : i32 to index
        %swap3A_378 = tpu.vector_load %arg6[%swap3A_375, %swap3A_376, %swap3A_377] {strides = array<i32>} : memref<2x32x512xf32, #tpu.memory_space<vmem>>, vector<1x1x16xf32>,
        %swap3A_379 = vector.shape_cast %swap3A_378 : vector<1x1x16xf32> to vector<16xf32>
        %swap3A_380 = vector.shape_cast %mul3A_372 : vector<16xf32> to vector<1x1x16xf32>
        tpu.vector_store %arg6[%swap3A_375, %swap3A_376, %swap3A_377], %swap3A_380 {strides = array<i32>} : memref<2x32x512xf32, #tpu.memory_space<vmem>>, vector<1x1x16xf32>,
        %get3A_381 = arith.constant 0 : i32
        %get3A_382 = arith.constant 11 : i32
        %get3A_383 = arith.index_cast %get3A_381 : i32 to index
        %get3A_384 = arith.index_cast %get3A_382 : i32 to index
        %get3A_385 = arith.index_cast %mul3A_205 : i32 to index
        %get3A_386 = tpu.vector_load %arg5[%get3A_383, %get3A_384, %get3A_385] {strides = array<i32>} : memref<2x32x512xf32, #tpu.memory_space<vmem>>, vector<1x1x16xf32>,
        %get3A_387 = vector.shape_cast %get3A_386 : vector<1x1x16xf32> to vector<16xf32>
        %mul3A_388 = arith.mulf %sub3A_203, %get3A_387 : vector<16xf32>
        %swap3A_389 = arith.constant 0 : i32
        %swap3A_390 = arith.constant 11 : i32
        %swap3A_391 = arith.index_cast %swap3A_389 : i32 to index
        %swap3A_392 = arith.index_cast %swap3A_390 : i32 to index
        %swap3A_393 = arith.index_cast %mul3A_205 : i32 to index
        %swap3A_394 = tpu.vector_load %arg6[%swap3A_391, %swap3A_392, %swap3A_393] {strides = array<i32>} : memref<2x32x512xf32, #tpu.memory_space<vmem>>, vector<1x1x16xf32>,
        %swap3A_395 = vector.shape_cast %swap3A_394 : vector<1x1x16xf32> to vector<16xf32>
        %swap3A_396 = vector.shape_cast %mul3A_388 : vector<16xf32> to vector<1x1x16xf32>
        tpu.vector_store %arg6[%swap3A_391, %swap3A_392, %swap3A_393], %swap3A_396 {strides = array<i32>} : memref<2x32x512xf32, #tpu.memory_space<vmem>>, vector<1x1x16xf32>,
        %get3A_397 = arith.constant 0 : i32
        %get3A_398 = arith.constant 12 : i32
        %get3A_399 = arith.index_cast %get3A_397 : i32 to index
        %get3A_400 = arith.index_cast %get3A_398 : i32 to index
        %get3A_401 = arith.index_cast %mul3A_205 : i32 to index
        %get3A_402 = tpu.vector_load %arg5[%get3A_399, %get3A_400, %get3A_401] {strides = array<i32>} : memref<2x32x512xf32, #tpu.memory_space<vmem>>, vector<1x1x16xf32>,
        %get3A_403 = vector.shape_cast %get3A_402 : vector<1x1x16xf32> to vector<16xf32>
        %mul3A_404 = arith.mulf %sub3A_203, %get3A_403 : vector<16xf32>
        %swap3A_405 = arith.constant 0 : i32
        %swap3A_406 = arith.constant 12 : i32
        %swap3A_407 = arith.index_cast %swap3A_405 : i32 to index
        %swap3A_408 = arith.index_cast %swap3A_406 : i32 to index
        %swap3A_409 = arith.index_cast %mul3A_205 : i32 to index
        %swap3A_410 = tpu.vector_load %arg6[%swap3A_407, %swap3A_408, %swap3A_409] {strides = array<i32>} : memref<2x32x512xf32, #tpu.memory_space<vmem>>, vector<1x1x16xf32>,
        %swap3A_411 = vector.shape_cast %swap3A_410 : vector<1x1x16xf32> to vector<16xf32>
        %swap3A_412 = vector.shape_cast %mul3A_404 : vector<16xf32> to vector<1x1x16xf32>
        tpu.vector_store %arg6[%swap3A_407, %swap3A_408, %swap3A_409], %swap3A_412 {strides = array<i32>} : memref<2x32x512xf32, #tpu.memory_space<vmem>>, vector<1x1x16xf32>,
        %get3A_413 = arith.constant 0 : i32
        %get3A_414 = arith.constant 13 : i32
        %get3A_415 = arith.index_cast %get3A_413 : i32 to index
        %get3A_416 = arith.index_cast %get3A_414 : i32 to index
        %get3A_417 = arith.index_cast %mul3A_205 : i32 to index
        %get3A_418 = tpu.vector_load %arg5[%get3A_415, %get3A_416, %get3A_417] {strides = array<i32>} : memref<2x32x512xf32, #tpu.memory_space<vmem>>, vector<1x1x16xf32>,
        %get3A_419 = vector.shape_cast %get3A_418 : vector<1x1x16xf32> to vector<16xf32>
        %mul3A_420 = arith.mulf %sub3A_203, %get3A_419 : vector<16xf32>
        %swap3A_421 = arith.constant 0 : i32
        %swap3A_422 = arith.constant 13 : i32
        %swap3A_423 = arith.index_cast %swap3A_421 : i32 to index
        %swap3A_424 = arith.index_cast %swap3A_422 : i32 to index
        %swap3A_425 = arith.index_cast %mul3A_205 : i32 to index
        %swap3A_426 = tpu.vector_load %arg6[%swap3A_423, %swap3A_424, %swap3A_425] {strides = array<i32>} : memref<2x32x512xf32, #tpu.memory_space<vmem>>, vector<1x1x16xf32>,
        %swap3A_427 = vector.shape_cast %swap3A_426 : vector<1x1x16xf32> to vector<16xf32>
        %swap3A_428 = vector.shape_cast %mul3A_420 : vector<16xf32> to vector<1x1x16xf32>
        tpu.vector_store %arg6[%swap3A_423, %swap3A_424, %swap3A_425], %swap3A_428 {strides = array<i32>} : memref<2x32x512xf32, #tpu.memory_space<vmem>>, vector<1x1x16xf32>,
        %get3A_429 = arith.constant 0 : i32
        %get3A_430 = arith.constant 14 : i32
        %get3A_431 = arith.index_cast %get3A_429 : i32 to index
        %get3A_432 = arith.index_cast %get3A_430 : i32 to index
        %get3A_433 = arith.index_cast %mul3A_205 : i32 to index
        %get3A_434 = tpu.vector_load %arg5[%get3A_431, %get3A_432, %get3A_433] {strides = array<i32>} : memref<2x32x512xf32, #tpu.memory_space<vmem>>, vector<1x1x16xf32>,
        %get3A_435 = vector.shape_cast %get3A_434 : vector<1x1x16xf32> to vector<16xf32>
        %mul3A_436 = arith.mulf %sub3A_203, %get3A_435 : vector<16xf32>
        %swap3A_437 = arith.constant 0 : i32
        %swap3A_438 = arith.constant 14 : i32
        %swap3A_439 = arith.index_cast %swap3A_437 : i32 to index
        %swap3A_440 = arith.index_cast %swap3A_438 : i32 to index
        %swap3A_441 = arith.index_cast %mul3A_205 : i32 to index
        %swap3A_442 = tpu.vector_load %arg6[%swap3A_439, %swap3A_440, %swap3A_441] {strides = array<i32>} : memref<2x32x512xf32, #tpu.memory_space<vmem>>, vector<1x1x16xf32>,
        %swap3A_443 = vector.shape_cast %swap3A_442 : vector<1x1x16xf32> to vector<16xf32>
        %swap3A_444 = vector.shape_cast %mul3A_436 : vector<16xf32> to vector<1x1x16xf32>
        tpu.vector_store %arg6[%swap3A_439, %swap3A_440, %swap3A_441], %swap3A_444 {strides = array<i32>} : memref<2x32x512xf32, #tpu.memory_space<vmem>>, vector<1x1x16xf32>,
        %get3A_445 = arith.constant 0 : i32
        %get3A_446 = arith.constant 15 : i32
        %get3A_447 = arith.index_cast %get3A_445 : i32 to index
        %get3A_448 = arith.index_cast %get3A_446 : i32 to index
        %get3A_449 = arith.index_cast %mul3A_205 : i32 to index
        %get3A_450 = tpu.vector_load %arg5[%get3A_447, %get3A_448, %get3A_449] {strides = array<i32>} : memref<2x32x512xf32, #tpu.memory_space<vmem>>, vector<1x1x16xf32>,
        %get3A_451 = vector.shape_cast %get3A_450 : vector<1x1x16xf32> to vector<16xf32>
        %mul3A_452 = arith.mulf %sub3A_203, %get3A_451 : vector<16xf32>
        %swap3A_453 = arith.constant 0 : i32
        %swap3A_454 = arith.constant 15 : i32
        %swap3A_455 = arith.index_cast %swap3A_453 : i32 to index
        %swap3A_456 = arith.index_cast %swap3A_454 : i32 to index
        %swap3A_457 = arith.index_cast %mul3A_205 : i32 to index
        %swap3A_458 = tpu.vector_load %arg6[%swap3A_455, %swap3A_456, %swap3A_457] {strides = array<i32>} : memref<2x32x512xf32, #tpu.memory_space<vmem>>, vector<1x1x16xf32>,
        %swap3A_459 = vector.shape_cast %swap3A_458 : vector<1x1x16xf32> to vector<16xf32>
        %swap3A_460 = vector.shape_cast %mul3A_452 : vector<16xf32> to vector<1x1x16xf32>
        tpu.vector_store %arg6[%swap3A_455, %swap3A_456, %swap3A_457], %swap3A_460 {strides = array<i32>} : memref<2x32x512xf32, #tpu.memory_space<vmem>>, vector<1x1x16xf32>,
        %get3A_461 = arith.constant 0 : i32
        %get3A_462 = arith.constant 16 : i32
        %get3A_463 = arith.index_cast %get3A_461 : i32 to index
        %get3A_464 = arith.index_cast %get3A_462 : i32 to index
        %get3A_465 = arith.index_cast %mul3A_205 : i32 to index
        %get3A_466 = tpu.vector_load %arg5[%get3A_463, %get3A_464, %get3A_465] {strides = array<i32>} : memref<2x32x512xf32, #tpu.memory_space<vmem>>, vector<1x1x16xf32>,
        %get3A_467 = vector.shape_cast %get3A_466 : vector<1x1x16xf32> to vector<16xf32>
        %mul3A_468 = arith.mulf %sub3A_203, %get3A_467 : vector<16xf32>
        %swap3A_469 = arith.constant 0 : i32
        %swap3A_470 = arith.constant 16 : i32
        %swap3A_471 = arith.index_cast %swap3A_469 : i32 to index
        %swap3A_472 = arith.index_cast %swap3A_470 : i32 to index
        %swap3A_473 = arith.index_cast %mul3A_205 : i32 to index
        %swap3A_474 = tpu.vector_load %arg6[%swap3A_471, %swap3A_472, %swap3A_473] {strides = array<i32>} : memref<2x32x512xf32, #tpu.memory_space<vmem>>, vector<1x1x16xf32>,
        %swap3A_475 = vector.shape_cast %swap3A_474 : vector<1x1x16xf32> to vector<16xf32>
        %swap3A_476 = vector.shape_cast %mul3A_468 : vector<16xf32> to vector<1x1x16xf32>
        tpu.vector_store %arg6[%swap3A_471, %swap3A_472, %swap3A_473], %swap3A_476 {strides = array<i32>} : memref<2x32x512xf32, #tpu.memory_space<vmem>>, vector<1x1x16xf32>,
        %get3A_477 = arith.constant 0 : i32
        %get3A_478 = arith.constant 17 : i32
        %get3A_479 = arith.index_cast %get3A_477 : i32 to index
        %get3A_480 = arith.index_cast %get3A_478 : i32 to index
        %get3A_481 = arith.index_cast %mul3A_205 : i32 to index
        %get3A_482 = tpu.vector_load %arg5[%get3A_479, %get3A_480, %get3A_481] {strides = array<i32>} : memref<2x32x512xf32, #tpu.memory_space<vmem>>, vector<1x1x16xf32>,
        %get3A_483 = vector.shape_cast %get3A_482 : vector<1x1x16xf32> to vector<16xf32>
        %mul3A_484 = arith.mulf %sub3A_203, %get3A_483 : vector<16xf32>
        %swap3A_485 = arith.constant 0 : i32
        %swap3A_486 = arith.constant 17 : i32
        %swap3A_487 = arith.index_cast %swap3A_485 : i32 to index
        %swap3A_488 = arith.index_cast %swap3A_486 : i32 to index
        %swap3A_489 = arith.index_cast %mul3A_205 : i32 to index
        %swap3A_490 = tpu.vector_load %arg6[%swap3A_487, %swap3A_488, %swap3A_489] {strides = array<i32>} : memref<2x32x512xf32, #tpu.memory_space<vmem>>, vector<1x1x16xf32>,
        %swap3A_491 = vector.shape_cast %swap3A_490 : vector<1x1x16xf32> to vector<16xf32>
        %swap3A_492 = vector.shape_cast %mul3A_484 : vector<16xf32> to vector<1x1x16xf32>
        tpu.vector_store %arg6[%swap3A_487, %swap3A_488, %swap3A_489], %swap3A_492 {strides = array<i32>} : memref<2x32x512xf32, #tpu.memory_space<vmem>>, vector<1x1x16xf32>,
        %get3A_493 = arith.constant 0 : i32
        %get3A_494 = arith.constant 18 : i32
        %get3A_495 = arith.index_cast %get3A_493 : i32 to index
        %get3A_496 = arith.index_cast %get3A_494 : i32 to index
        %get3A_497 = arith.index_cast %mul3A_205 : i32 to index
        %get3A_498 = tpu.vector_load %arg5[%get3A_495, %get3A_496, %get3A_497] {strides = array<i32>} : memref<2x32x512xf32, #tpu.memory_space<vmem>>, vector<1x1x16xf32>,
        %get3A_499 = vector.shape_cast %get3A_498 : vector<1x1x16xf32> to vector<16xf32>
        %mul3A_500 = arith.mulf %sub3A_203, %get3A_499 : vector<16xf32>
        %swap3A_501 = arith.constant 0 : i32
        %swap3A_502 = arith.constant 18 : i32
        %swap3A_503 = arith.index_cast %swap3A_501 : i32 to index
        %swap3A_504 = arith.index_cast %swap3A_502 : i32 to index
        %swap3A_505 = arith.index_cast %mul3A_205 : i32 to index
        %swap3A_506 = tpu.vector_load %arg6[%swap3A_503, %swap3A_504, %swap3A_505] {strides = array<i32>} : memref<2x32x512xf32, #tpu.memory_space<vmem>>, vector<1x1x16xf32>,
        %swap3A_507 = vector.shape_cast %swap3A_506 : vector<1x1x16xf32> to vector<16xf32>
        %swap3A_508 = vector.shape_cast %mul3A_500 : vector<16xf32> to vector<1x1x16xf32>
        tpu.vector_store %arg6[%swap3A_503, %swap3A_504, %swap3A_505], %swap3A_508 {strides = array<i32>} : memref<2x32x512xf32, #tpu.memory_space<vmem>>, vector<1x1x16xf32>,
        %get3A_509 = arith.constant 0 : i32
        %get3A_510 = arith.constant 19 : i32
        %get3A_511 = arith.index_cast %get3A_509 : i32 to index
        %get3A_512 = arith.index_cast %get3A_510 : i32 to index
        %get3A_513 = arith.index_cast %mul3A_205 : i32 to index
        %get3A_514 = tpu.vector_load %arg5[%get3A_511, %get3A_512, %get3A_513] {strides = array<i32>} : memref<2x32x512xf32, #tpu.memory_space<vmem>>, vector<1x1x16xf32>,
        %get3A_515 = vector.shape_cast %get3A_514 : vector<1x1x16xf32> to vector<16xf32>
        %mul3A_516 = arith.mulf %sub3A_203, %get3A_515 : vector<16xf32>
        %swap3A_517 = arith.constant 0 : i32
        %swap3A_518 = arith.constant 19 : i32
        %swap3A_519 = arith.index_cast %swap3A_517 : i32 to index
        %swap3A_520 = arith.index_cast %swap3A_518 : i32 to index
        %swap3A_521 = arith.index_cast %mul3A_205 : i32 to index
        %swap3A_522 = tpu.vector_load %arg6[%swap3A_519, %swap3A_520, %swap3A_521] {strides = array<i32>} : memref<2x32x512xf32, #tpu.memory_space<vmem>>, vector<1x1x16xf32>,
        %swap3A_523 = vector.shape_cast %swap3A_522 : vector<1x1x16xf32> to vector<16xf32>
        %swap3A_524 = vector.shape_cast %mul3A_516 : vector<16xf32> to vector<1x1x16xf32>
        tpu.vector_store %arg6[%swap3A_519, %swap3A_520, %swap3A_521], %swap3A_524 {strides = array<i32>} : memref<2x32x512xf32, #tpu.memory_space<vmem>>, vector<1x1x16xf32>,
        %get3A_525 = arith.constant 0 : i32
        %get3A_526 = arith.constant 20 : i32
        %get3A_527 = arith.index_cast %get3A_525 : i32 to index
        %get3A_528 = arith.index_cast %get3A_526 : i32 to index
        %get3A_529 = arith.index_cast %mul3A_205 : i32 to index
        %get3A_530 = tpu.vector_load %arg5[%get3A_527, %get3A_528, %get3A_529] {strides = array<i32>} : memref<2x32x512xf32, #tpu.memory_space<vmem>>, vector<1x1x16xf32>,
        %get3A_531 = vector.shape_cast %get3A_530 : vector<1x1x16xf32> to vector<16xf32>
        %mul3A_532 = arith.mulf %sub3A_203, %get3A_531 : vector<16xf32>
        %swap3A_533 = arith.constant 0 : i32
        %swap3A_534 = arith.constant 20 : i32
        %swap3A_535 = arith.index_cast %swap3A_533 : i32 to index
        %swap3A_536 = arith.index_cast %swap3A_534 : i32 to index
        %swap3A_537 = arith.index_cast %mul3A_205 : i32 to index
        %swap3A_538 = tpu.vector_load %arg6[%swap3A_535, %swap3A_536, %swap3A_537] {strides = array<i32>} : memref<2x32x512xf32, #tpu.memory_space<vmem>>, vector<1x1x16xf32>,
        %swap3A_539 = vector.shape_cast %swap3A_538 : vector<1x1x16xf32> to vector<16xf32>
        %swap3A_540 = vector.shape_cast %mul3A_532 : vector<16xf32> to vector<1x1x16xf32>
        tpu.vector_store %arg6[%swap3A_535, %swap3A_536, %swap3A_537], %swap3A_540 {strides = array<i32>} : memref<2x32x512xf32, #tpu.memory_space<vmem>>, vector<1x1x16xf32>,
        %get3A_541 = arith.constant 0 : i32
        %get3A_542 = arith.constant 21 : i32
        %get3A_543 = arith.index_cast %get3A_541 : i32 to index
        %get3A_544 = arith.index_cast %get3A_542 : i32 to index
        %get3A_545 = arith.index_cast %mul3A_205 : i32 to index
        %get3A_546 = tpu.vector_load %arg5[%get3A_543, %get3A_544, %get3A_545] {strides = array<i32>} : memref<2x32x512xf32, #tpu.memory_space<vmem>>, vector<1x1x16xf32>,
        %get3A_547 = vector.shape_cast %get3A_546 : vector<1x1x16xf32> to vector<16xf32>
        %mul3A_548 = arith.mulf %sub3A_203, %get3A_547 : vector<16xf32>
        %swap3A_549 = arith.constant 0 : i32
        %swap3A_550 = arith.constant 21 : i32
        %swap3A_551 = arith.index_cast %swap3A_549 : i32 to index
        %swap3A_552 = arith.index_cast %swap3A_550 : i32 to index
        %swap3A_553 = arith.index_cast %mul3A_205 : i32 to index
        %swap3A_554 = tpu.vector_load %arg6[%swap3A_551, %swap3A_552, %swap3A_553] {strides = array<i32>} : memref<2x32x512xf32, #tpu.memory_space<vmem>>, vector<1x1x16xf32>,
        %swap3A_555 = vector.shape_cast %swap3A_554 : vector<1x1x16xf32> to vector<16xf32>
        %swap3A_556 = vector.shape_cast %mul3A_548 : vector<16xf32> to vector<1x1x16xf32>
        tpu.vector_store %arg6[%swap3A_551, %swap3A_552, %swap3A_553], %swap3A_556 {strides = array<i32>} : memref<2x32x512xf32, #tpu.memory_space<vmem>>, vector<1x1x16xf32>,
        %get3A_557 = arith.constant 0 : i32
        %get3A_558 = arith.constant 22 : i32
        %get3A_559 = arith.index_cast %get3A_557 : i32 to index
        %get3A_560 = arith.index_cast %get3A_558 : i32 to index
        %get3A_561 = arith.index_cast %mul3A_205 : i32 to index
        %get3A_562 = tpu.vector_load %arg5[%get3A_559, %get3A_560, %get3A_561] {strides = array<i32>} : memref<2x32x512xf32, #tpu.memory_space<vmem>>, vector<1x1x16xf32>,
        %get3A_563 = vector.shape_cast %get3A_562 : vector<1x1x16xf32> to vector<16xf32>
        %mul3A_564 = arith.mulf %sub3A_203, %get3A_563 : vector<16xf32>
        %swap3A_565 = arith.constant 0 : i32
        %swap3A_566 = arith.constant 22 : i32
        %swap3A_567 = arith.index_cast %swap3A_565 : i32 to index
        %swap3A_568 = arith.index_cast %swap3A_566 : i32 to index
        %swap3A_569 = arith.index_cast %mul3A_205 : i32 to index
        %swap3A_570 = tpu.vector_load %arg6[%swap3A_567, %swap3A_568, %swap3A_569] {strides = array<i32>} : memref<2x32x512xf32, #tpu.memory_space<vmem>>, vector<1x1x16xf32>,
        %swap3A_571 = vector.shape_cast %swap3A_570 : vector<1x1x16xf32> to vector<16xf32>
        %swap3A_572 = vector.shape_cast %mul3A_564 : vector<16xf32> to vector<1x1x16xf32>
        tpu.vector_store %arg6[%swap3A_567, %swap3A_568, %swap3A_569], %swap3A_572 {strides = array<i32>} : memref<2x32x512xf32, #tpu.memory_space<vmem>>, vector<1x1x16xf32>,
        %get3A_573 = arith.constant 0 : i32
        %get3A_574 = arith.constant 23 : i32
        %get3A_575 = arith.index_cast %get3A_573 : i32 to index
        %get3A_576 = arith.index_cast %get3A_574 : i32 to index
        %get3A_577 = arith.index_cast %mul3A_205 : i32 to index
        %get3A_578 = tpu.vector_load %arg5[%get3A_575, %get3A_576, %get3A_577] {strides = array<i32>} : memref<2x32x512xf32, #tpu.memory_space<vmem>>, vector<1x1x16xf32>,
        %get3A_579 = vector.shape_cast %get3A_578 : vector<1x1x16xf32> to vector<16xf32>
        %mul3A_580 = arith.mulf %sub3A_203, %get3A_579 : vector<16xf32>
        %swap3A_581 = arith.constant 0 : i32
        %swap3A_582 = arith.constant 23 : i32
        %swap3A_583 = arith.index_cast %swap3A_581 : i32 to index
        %swap3A_584 = arith.index_cast %swap3A_582 : i32 to index
        %swap3A_585 = arith.index_cast %mul3A_205 : i32 to index
        %swap3A_586 = tpu.vector_load %arg6[%swap3A_583, %swap3A_584, %swap3A_585] {strides = array<i32>} : memref<2x32x512xf32, #tpu.memory_space<vmem>>, vector<1x1x16xf32>,
        %swap3A_587 = vector.shape_cast %swap3A_586 : vector<1x1x16xf32> to vector<16xf32>
        %swap3A_588 = vector.shape_cast %mul3A_580 : vector<16xf32> to vector<1x1x16xf32>
        tpu.vector_store %arg6[%swap3A_583, %swap3A_584, %swap3A_585], %swap3A_588 {strides = array<i32>} : memref<2x32x512xf32, #tpu.memory_space<vmem>>, vector<1x1x16xf32>,
        %get3A_589 = arith.constant 0 : i32
        %get3A_590 = arith.constant 24 : i32
        %get3A_591 = arith.index_cast %get3A_589 : i32 to index
        %get3A_592 = arith.index_cast %get3A_590 : i32 to index
        %get3A_593 = arith.index_cast %mul3A_205 : i32 to index
        %get3A_594 = tpu.vector_load %arg5[%get3A_591, %get3A_592, %get3A_593] {strides = array<i32>} : memref<2x32x512xf32, #tpu.memory_space<vmem>>, vector<1x1x16xf32>,
        %get3A_595 = vector.shape_cast %get3A_594 : vector<1x1x16xf32> to vector<16xf32>
        %mul3A_596 = arith.mulf %sub3A_203, %get3A_595 : vector<16xf32>
        %swap3A_597 = arith.constant 0 : i32
        %swap3A_598 = arith.constant 24 : i32
        %swap3A_599 = arith.index_cast %swap3A_597 : i32 to index
        %swap3A_600 = arith.index_cast %swap3A_598 : i32 to index
        %swap3A_601 = arith.index_cast %mul3A_205 : i32 to index
        %swap3A_602 = tpu.vector_load %arg6[%swap3A_599, %swap3A_600, %swap3A_601] {strides = array<i32>} : memref<2x32x512xf32, #tpu.memory_space<vmem>>, vector<1x1x16xf32>,
        %swap3A_603 = vector.shape_cast %swap3A_602 : vector<1x1x16xf32> to vector<16xf32>
        %swap3A_604 = vector.shape_cast %mul3A_596 : vector<16xf32> to vector<1x1x16xf32>
        tpu.vector_store %arg6[%swap3A_599, %swap3A_600, %swap3A_601], %swap3A_604 {strides = array<i32>} : memref<2x32x512xf32, #tpu.memory_space<vmem>>, vector<1x1x16xf32>,
        %get3A_605 = arith.constant 0 : i32
        %get3A_606 = arith.constant 25 : i32
        %get3A_607 = arith.index_cast %get3A_605 : i32 to index
        %get3A_608 = arith.index_cast %get3A_606 : i32 to index
        %get3A_609 = arith.index_cast %mul3A_205 : i32 to index
        %get3A_610 = tpu.vector_load %arg5[%get3A_607, %get3A_608, %get3A_609] {strides = array<i32>} : memref<2x32x512xf32, #tpu.memory_space<vmem>>, vector<1x1x16xf32>,
        %get3A_611 = vector.shape_cast %get3A_610 : vector<1x1x16xf32> to vector<16xf32>
        %mul3A_612 = arith.mulf %sub3A_203, %get3A_611 : vector<16xf32>
        %swap3A_613 = arith.constant 0 : i32
        %swap3A_614 = arith.constant 25 : i32
        %swap3A_615 = arith.index_cast %swap3A_613 : i32 to index
        %swap3A_616 = arith.index_cast %swap3A_614 : i32 to index
        %swap3A_617 = arith.index_cast %mul3A_205 : i32 to index
        %swap3A_618 = tpu.vector_load %arg6[%swap3A_615, %swap3A_616, %swap3A_617] {strides = array<i32>} : memref<2x32x512xf32, #tpu.memory_space<vmem>>, vector<1x1x16xf32>,
        %swap3A_619 = vector.shape_cast %swap3A_618 : vector<1x1x16xf32> to vector<16xf32>
        %swap3A_620 = vector.shape_cast %mul3A_612 : vector<16xf32> to vector<1x1x16xf32>
        tpu.vector_store %arg6[%swap3A_615, %swap3A_616, %swap3A_617], %swap3A_620 {strides = array<i32>} : memref<2x32x512xf32, #tpu.memory_space<vmem>>, vector<1x1x16xf32>,
        %get3A_621 = arith.constant 0 : i32
        %get3A_622 = arith.constant 26 : i32
        %get3A_623 = arith.index_cast %get3A_621 : i32 to index
        %get3A_624 = arith.index_cast %get3A_622 : i32 to index
        %get3A_625 = arith.index_cast %mul3A_205 : i32 to index
        %get3A_626 = tpu.vector_load %arg5[%get3A_623, %get3A_624, %get3A_625] {strides = array<i32>} : memref<2x32x512xf32, #tpu.memory_space<vmem>>, vector<1x1x16xf32>,
        %get3A_627 = vector.shape_cast %get3A_626 : vector<1x1x16xf32> to vector<16xf32>
        %mul3A_628 = arith.mulf %sub3A_203, %get3A_627 : vector<16xf32>
        %swap3A_629 = arith.constant 0 : i32
        %swap3A_630 = arith.constant 26 : i32
        %swap3A_631 = arith.index_cast %swap3A_629 : i32 to index
        %swap3A_632 = arith.index_cast %swap3A_630 : i32 to index
        %swap3A_633 = arith.index_cast %mul3A_205 : i32 to index
        %swap3A_634 = tpu.vector_load %arg6[%swap3A_631, %swap3A_632, %swap3A_633] {strides = array<i32>} : memref<2x32x512xf32, #tpu.memory_space<vmem>>, vector<1x1x16xf32>,
        %swap3A_635 = vector.shape_cast %swap3A_634 : vector<1x1x16xf32> to vector<16xf32>
        %swap3A_636 = vector.shape_cast %mul3A_628 : vector<16xf32> to vector<1x1x16xf32>
        tpu.vector_store %arg6[%swap3A_631, %swap3A_632, %swap3A_633], %swap3A_636 {strides = array<i32>} : memref<2x32x512xf32, #tpu.memory_space<vmem>>, vector<1x1x16xf32>,
        %get3A_637 = arith.constant 0 : i32
        %get3A_638 = arith.constant 27 : i32
        %get3A_639 = arith.index_cast %get3A_637 : i32 to index
        %get3A_640 = arith.index_cast %get3A_638 : i32 to index
        %get3A_641 = arith.index_cast %mul3A_205 : i32 to index
        %get3A_642 = tpu.vector_load %arg5[%get3A_639, %get3A_640, %get3A_641] {strides = array<i32>} : memref<2x32x512xf32, #tpu.memory_space<vmem>>, vector<1x1x16xf32>,
        %get3A_643 = vector.shape_cast %get3A_642 : vector<1x1x16xf32> to vector<16xf32>
        %mul3A_644 = arith.mulf %sub3A_203, %get3A_643 : vector<16xf32>
        %swap3A_645 = arith.constant 0 : i32
        %swap3A_646 = arith.constant 27 : i32
        %swap3A_647 = arith.index_cast %swap3A_645 : i32 to index
        %swap3A_648 = arith.index_cast %swap3A_646 : i32 to index
        %swap3A_649 = arith.index_cast %mul3A_205 : i32 to index
        %swap3A_650 = tpu.vector_load %arg6[%swap3A_647, %swap3A_648, %swap3A_649] {strides = array<i32>} : memref<2x32x512xf32, #tpu.memory_space<vmem>>, vector<1x1x16xf32>,
        %swap3A_651 = vector.shape_cast %swap3A_650 : vector<1x1x16xf32> to vector<16xf32>
        %swap3A_652 = vector.shape_cast %mul3A_644 : vector<16xf32> to vector<1x1x16xf32>
        tpu.vector_store %arg6[%swap3A_647, %swap3A_648, %swap3A_649], %swap3A_652 {strides = array<i32>} : memref<2x32x512xf32, #tpu.memory_space<vmem>>, vector<1x1x16xf32>,
        %get3A_653 = arith.constant 0 : i32
        %get3A_654 = arith.constant 28 : i32
        %get3A_655 = arith.index_cast %get3A_653 : i32 to index
        %get3A_656 = arith.index_cast %get3A_654 : i32 to index
        %get3A_657 = arith.index_cast %mul3A_205 : i32 to index
        %get3A_658 = tpu.vector_load %arg5[%get3A_655, %get3A_656, %get3A_657] {strides = array<i32>} : memref<2x32x512xf32, #tpu.memory_space<vmem>>, vector<1x1x16xf32>,
        %get3A_659 = vector.shape_cast %get3A_658 : vector<1x1x16xf32> to vector<16xf32>
        %mul3A_660 = arith.mulf %sub3A_203, %get3A_659 : vector<16xf32>
        %swap3A_661 = arith.constant 0 : i32
        %swap3A_662 = arith.constant 28 : i32
        %swap3A_663 = arith.index_cast %swap3A_661 : i32 to index
        %swap3A_664 = arith.index_cast %swap3A_662 : i32 to index
        %swap3A_665 = arith.index_cast %mul3A_205 : i32 to index
        %swap3A_666 = tpu.vector_load %arg6[%swap3A_663, %swap3A_664, %swap3A_665] {strides = array<i32>} : memref<2x32x512xf32, #tpu.memory_space<vmem>>, vector<1x1x16xf32>,
        %swap3A_667 = vector.shape_cast %swap3A_666 : vector<1x1x16xf32> to vector<16xf32>
        %swap3A_668 = vector.shape_cast %mul3A_660 : vector<16xf32> to vector<1x1x16xf32>
        tpu.vector_store %arg6[%swap3A_663, %swap3A_664, %swap3A_665], %swap3A_668 {strides = array<i32>} : memref<2x32x512xf32, #tpu.memory_space<vmem>>, vector<1x1x16xf32>,
        %get3A_669 = arith.constant 0 : i32
        %get3A_670 = arith.constant 29 : i32
        %get3A_671 = arith.index_cast %get3A_669 : i32 to index
        %get3A_672 = arith.index_cast %get3A_670 : i32 to index
        %get3A_673 = arith.index_cast %mul3A_205 : i32 to index
        %get3A_674 = tpu.vector_load %arg5[%get3A_671, %get3A_672, %get3A_673] {strides = array<i32>} : memref<2x32x512xf32, #tpu.memory_space<vmem>>, vector<1x1x16xf32>,
        %get3A_675 = vector.shape_cast %get3A_674 : vector<1x1x16xf32> to vector<16xf32>
        %mul3A_676 = arith.mulf %sub3A_203, %get3A_675 : vector<16xf32>
        %swap3A_677 = arith.constant 0 : i32
        %swap3A_678 = arith.constant 29 : i32
        %swap3A_679 = arith.index_cast %swap3A_677 : i32 to index
        %swap3A_680 = arith.index_cast %swap3A_678 : i32 to index
        %swap3A_681 = arith.index_cast %mul3A_205 : i32 to index
        %swap3A_682 = tpu.vector_load %arg6[%swap3A_679, %swap3A_680, %swap3A_681] {strides = array<i32>} : memref<2x32x512xf32, #tpu.memory_space<vmem>>, vector<1x1x16xf32>,
        %swap3A_683 = vector.shape_cast %swap3A_682 : vector<1x1x16xf32> to vector<16xf32>
        %swap3A_684 = vector.shape_cast %mul3A_676 : vector<16xf32> to vector<1x1x16xf32>
        tpu.vector_store %arg6[%swap3A_679, %swap3A_680, %swap3A_681], %swap3A_684 {strides = array<i32>} : memref<2x32x512xf32, #tpu.memory_space<vmem>>, vector<1x1x16xf32>,
        %get3A_685 = arith.constant 0 : i32
        %get3A_686 = arith.constant 30 : i32
        %get3A_687 = arith.index_cast %get3A_685 : i32 to index
        %get3A_688 = arith.index_cast %get3A_686 : i32 to index
        %get3A_689 = arith.index_cast %mul3A_205 : i32 to index
        %get3A_690 = tpu.vector_load %arg5[%get3A_687, %get3A_688, %get3A_689] {strides = array<i32>} : memref<2x32x512xf32, #tpu.memory_space<vmem>>, vector<1x1x16xf32>,
        %get3A_691 = vector.shape_cast %get3A_690 : vector<1x1x16xf32> to vector<16xf32>
        %mul3A_692 = arith.mulf %sub3A_203, %get3A_691 : vector<16xf32>
        %swap3A_693 = arith.constant 0 : i32
        %swap3A_694 = arith.constant 30 : i32
        %swap3A_695 = arith.index_cast %swap3A_693 : i32 to index
        %swap3A_696 = arith.index_cast %swap3A_694 : i32 to index
        %swap3A_697 = arith.index_cast %mul3A_205 : i32 to index
        %swap3A_698 = tpu.vector_load %arg6[%swap3A_695, %swap3A_696, %swap3A_697] {strides = array<i32>} : memref<2x32x512xf32, #tpu.memory_space<vmem>>, vector<1x1x16xf32>,
        %swap3A_699 = vector.shape_cast %swap3A_698 : vector<1x1x16xf32> to vector<16xf32>
        %swap3A_700 = vector.shape_cast %mul3A_692 : vector<16xf32> to vector<1x1x16xf32>
        tpu.vector_store %arg6[%swap3A_695, %swap3A_696, %swap3A_697], %swap3A_700 {strides = array<i32>} : memref<2x32x512xf32, #tpu.memory_space<vmem>>, vector<1x1x16xf32>,
        %get3A_701 = arith.constant 0 : i32
        %get3A_702 = arith.constant 31 : i32
        %get3A_703 = arith.index_cast %get3A_701 : i32 to index
        %get3A_704 = arith.index_cast %get3A_702 : i32 to index
        %get3A_705 = arith.index_cast %mul3A_205 : i32 to index
        %get3A_706 = tpu.vector_load %arg5[%get3A_703, %get3A_704, %get3A_705] {strides = array<i32>} : memref<2x32x512xf32, #tpu.memory_space<vmem>>, vector<1x1x16xf32>,
        %get3A_707 = vector.shape_cast %get3A_706 : vector<1x1x16xf32> to vector<16xf32>
        %mul3A_708 = arith.mulf %sub3A_203, %get3A_707 : vector<16xf32>
        %swap3A_709 = arith.constant 0 : i32
        %swap3A_710 = arith.constant 31 : i32
        %swap3A_711 = arith.index_cast %swap3A_709 : i32 to index
        %swap3A_712 = arith.index_cast %swap3A_710 : i32 to index
        %swap3A_713 = arith.index_cast %mul3A_205 : i32 to index
        %swap3A_714 = tpu.vector_load %arg6[%swap3A_711, %swap3A_712, %swap3A_713] {strides = array<i32>} : memref<2x32x512xf32, #tpu.memory_space<vmem>>, vector<1x1x16xf32>,
        %swap3A_715 = vector.shape_cast %swap3A_714 : vector<1x1x16xf32> to vector<16xf32>
        %swap3A_716 = vector.shape_cast %mul3A_708 : vector<16xf32> to vector<1x1x16xf32>
        tpu.vector_store %arg6[%swap3A_711, %swap3A_712, %swap3A_713], %swap3A_716 {strides = array<i32>} : memref<2x32x512xf32, #tpu.memory_space<vmem>>, vector<1x1x16xf32>,
      }
      %scan3A_114 = arith.constant 32 : i32
      %add3A_115 = arith.addi %mul3A_2, %add3A_90 : i32
      %mul3A_116 = arith.constant 512 : i32
      %mul3A_117 = arith.muli %add3A_115, %mul3A_116 : i32
      %dma_start3A_118 = arith.constant 0 : i32
      %dma_start3A_119 = arith.constant 0 : i32
      %dma_start3A_120 = arith.constant 0 : i32
      %dma_start3A_121 = tpu.memref_slice %arg6[%dma_start3A_118, %dma_start3A_119, %dma_start3A_120] : memref<2x32x512xf32, #tpu.memory_space<vmem>> -> memref<1x32x512xf32, #tpu.memory_space<vmem>>
      %dma_start3A_122 = tpu.memref_squeeze %dma_start3A_121 : memref<1x32x512xf32, #tpu.memory_space<vmem>> -> memref<32x512xf32, #tpu.memory_space<vmem>>
      %dma_start3A_123 = arith.constant 0 : i32
      %dma_start3A_124 = tpu.memref_slice %arg4[%dma_start3A_123, %mul3A_117] : memref<32x1000000xf32, #tpu.memory_space<hbm>> -> memref<32x512xf32, #tpu.memory_space<hbm>>
      %dma_start3A_125 = arith.constant 0 : i32
      %dma_start3A_126 = tpu.memref_slice %arg4[%dma_start3A_125, %mul3A_117] : memref<32x1000000xf32, #tpu.memory_space<hbm>> -> memref<32x512xf32, #tpu.memory_space<hbm>>
      %dma_start3A_127 = arith.constant 0 : i32
      %dma_start3A_128 = arith.constant 0 : i32
      %dma_start3A_129 = tpu.memref_slice %arg6[%dma_start3A_118, %dma_start3A_127, %dma_start3A_128] : memref<2x32x512xf32, #tpu.memory_space<vmem>> -> memref<1x32x512xf32, #tpu.memory_space<vmem>>
      %dma_start3A_130 = tpu.memref_squeeze %dma_start3A_129 : memref<1x32x512xf32, #tpu.memory_space<vmem>> -> memref<32x512xf32, #tpu.memory_space<vmem>>
      tpu.enqueue_dma source(%dma_start3A_130 : memref<32x512xf32, #tpu.memory_space<vmem>>) target(%dma_start3A_126 : memref<32x512xf32, #tpu.memory_space<hbm>>) target_semaphore(%arg10 : memref<!tpu.dma_semaphore, #tpu.memory_space<semaphore_mem>>)
      %add3A_131 = arith.constant 2 : i32
      %add3A_132 = arith.addi %add3A_90, %add3A_131 : i32
      %lt3A = arith.constant 50 : i32
      %lt3A_133 = arith.cmpi slt, %add3A_132, %lt3A : i32
      %convert_element_type3A_134 = arith.extui %lt3A_133 : i1 to i32
      %cond3A_135 = arith.constant 0 : i32
      %cond3A_136 = arith.cmpi ne, %convert_element_type3A_134, %cond3A_135 : i32
      scf.if %cond3A_136 {
        %add3A_191 = arith.constant 2 : i32
        %add3A_192 = arith.addi %add3A_90, %add3A_191 : i32
        %add3A_193 = arith.addi %mul3A_2, %add3A_192 : i32
        %mul3A_194 = arith.constant 512 : i32
        %mul3A_195 = arith.muli %add3A_193, %mul3A_194 : i32
        %dma_start3A_196 = arith.constant 0 : i32
        %dma_start3A_197 = arith.constant 0 : i32
        %dma_start3A_198 = arith.constant 0 : i32
        %dma_start3A_199 = tpu.memref_slice %arg5[%dma_start3A_196, %dma_start3A_197, %dma_start3A_198] : memref<2x32x512xf32, #tpu.memory_space<vmem>> -> memref<1x32x512xf32, #tpu.memory_space<vmem>>
        %dma_start3A_200 = tpu.memref_squeeze %dma_start3A_199 : memref<1x32x512xf32, #tpu.memory_space<vmem>> -> memref<32x512xf32, #tpu.memory_space<vmem>>
        %dma_start3A_201 = arith.constant 0 : i32
        %dma_start3A_202 = tpu.memref_slice %arg2[%dma_start3A_201, %mul3A_195] : memref<32x1000000xf32, #tpu.memory_space<hbm>> -> memref<32x512xf32, #tpu.memory_space<hbm>>
        %dma_start3A_203 = arith.constant 0 : i32
        %dma_start3A_204 = arith.constant 0 : i32
        %dma_start3A_205 = tpu.memref_slice %arg5[%dma_start3A_196, %dma_start3A_203, %dma_start3A_204] : memref<2x32x512xf32, #tpu.memory_space<vmem>> -> memref<1x32x512xf32, #tpu.memory_space<vmem>>
        %dma_start3A_206 = tpu.memref_squeeze %dma_start3A_205 : memref<1x32x512xf32, #tpu.memory_space<vmem>> -> memref<32x512xf32, #tpu.memory_space<vmem>>
        %dma_start3A_207 = arith.constant 0 : i32
        %dma_start3A_208 = tpu.memref_slice %arg2[%dma_start3A_207, %mul3A_195] : memref<32x1000000xf32, #tpu.memory_space<hbm>> -> memref<32x512xf32, #tpu.memory_space<hbm>>
        tpu.enqueue_dma source(%dma_start3A_208 : memref<32x512xf32, #tpu.memory_space<hbm>>) target(%dma_start3A_206 : memref<32x512xf32, #tpu.memory_space<vmem>>) target_semaphore(%arg8 : memref<!tpu.dma_semaphore, #tpu.memory_space<semaphore_mem>>)
      } else {
      }
      %mul3A_137 = arith.constant 2 : i32
      %mul3A_138 = arith.muli %scan3A_86, %mul3A_137 : i32
      %add3A_139 = arith.constant 1 : i32
      %add3A_140 = arith.addi %mul3A_138, %add3A_139 : i32
      %ge3A_141 = arith.constant 2 : i32
      %ge3A_142 = arith.cmpi sge, %add3A_140, %ge3A_141 : i32
      %convert_element_type3A_143 = arith.extui %ge3A_142 : i1 to i32
      %cond3A_144 = arith.constant 0 : i32
      %cond3A_145 = arith.cmpi ne, %convert_element_type3A_143, %cond3A_144 : i32
      scf.if %cond3A_145 {
        %sub3A = arith.constant 2 : i32
        %sub3A_191 = arith.subi %add3A_140, %sub3A : i32
        %add3A_192 = arith.addi %mul3A_2, %sub3A_191 : i32
        %mul3A_193 = arith.constant 512 : i32
        %mul3A_194 = arith.muli %add3A_192, %mul3A_193 : i32
        %dma_wait3A_195 = arith.constant 1 : i32
        %dma_wait3A_196 = arith.constant 0 : i32
        %dma_wait3A_197 = arith.constant 0 : i32
        %dma_wait3A_198 = tpu.memref_slice %arg6[%dma_wait3A_195, %dma_wait3A_196, %dma_wait3A_197] : memref<2x32x512xf32, #tpu.memory_space<vmem>> -> memref<1x32x512xf32, #tpu.memory_space<vmem>>
        %dma_wait3A_199 = tpu.memref_squeeze %dma_wait3A_198 : memref<1x32x512xf32, #tpu.memory_space<vmem>> -> memref<32x512xf32, #tpu.memory_space<vmem>>
        %dma_wait3A_200 = arith.constant 0 : i32
        %dma_wait3A_201 = tpu.memref_slice %arg4[%dma_wait3A_200, %mul3A_194] : memref<32x1000000xf32, #tpu.memory_space<hbm>> -> memref<32x512xf32, #tpu.memory_space<hbm>>
        %dma_wait3A_202 = arith.constant 0 : i32
        %dma_wait3A_203 = tpu.memref_slice %arg4[%dma_wait3A_202, %mul3A_194] : memref<32x1000000xf32, #tpu.memory_space<hbm>> -> memref<32x512xf32, #tpu.memory_space<hbm>>
        %dma_wait3A_204 = arith.constant 0 : i32
        %dma_wait3A_205 = arith.constant 0 : i32
        %dma_wait3A_206 = tpu.memref_slice %arg6[%dma_wait3A_195, %dma_wait3A_204, %dma_wait3A_205] : memref<2x32x512xf32, #tpu.memory_space<vmem>> -> memref<1x32x512xf32, #tpu.memory_space<vmem>>
        %dma_wait3A_207 = tpu.memref_squeeze %dma_wait3A_206 : memref<1x32x512xf32, #tpu.memory_space<vmem>> -> memref<32x512xf32, #tpu.memory_space<vmem>>
        tpu.wait_dma2 semaphore(%arg11 : memref<!tpu.dma_semaphore, #tpu.memory_space<semaphore_mem>>) src(%dma_wait3A_207 : memref<32x512xf32, #tpu.memory_space<vmem>>) dst(%dma_wait3A_203 : memref<32x512xf32, #tpu.memory_space<hbm>>)
      } else {
      }
      %add3A_146 = arith.addi %mul3A_2, %add3A_140 : i32
      %mul3A_147 = arith.constant 512 : i32
      %mul3A_148 = arith.muli %add3A_146, %mul3A_147 : i32
      %dma_wait3A_149 = arith.constant 1 : i32
      %dma_wait3A_150 = arith.constant 0 : i32
      %dma_wait3A_151 = arith.constant 0 : i32
      %dma_wait3A_152 = tpu.memref_slice %arg5[%dma_wait3A_149, %dma_wait3A_150, %dma_wait3A_151] : memref<2x32x512xf32, #tpu.memory_space<vmem>> -> memref<1x32x512xf32, #tpu.memory_space<vmem>>
      %dma_wait3A_153 = tpu.memref_squeeze %dma_wait3A_152 : memref<1x32x512xf32, #tpu.memory_space<vmem>> -> memref<32x512xf32, #tpu.memory_space<vmem>>
      %dma_wait3A_154 = arith.constant 0 : i32
      %dma_wait3A_155 = tpu.memref_slice %arg2[%dma_wait3A_154, %mul3A_148] : memref<32x1000000xf32, #tpu.memory_space<hbm>> -> memref<32x512xf32, #tpu.memory_space<hbm>>
      %dma_wait3A_156 = arith.constant 0 : i32
      %dma_wait3A_157 = arith.constant 0 : i32
      %dma_wait3A_158 = tpu.memref_slice %arg5[%dma_wait3A_149, %dma_wait3A_156, %dma_wait3A_157] : memref<2x32x512xf32, #tpu.memory_space<vmem>> -> memref<1x32x512xf32, #tpu.memory_space<vmem>>
      %dma_wait3A_159 = tpu.memref_squeeze %dma_wait3A_158 : memref<1x32x512xf32, #tpu.memory_space<vmem>> -> memref<32x512xf32, #tpu.memory_space<vmem>>
      %dma_wait3A_160 = arith.constant 0 : i32
      %dma_wait3A_161 = tpu.memref_slice %arg2[%dma_wait3A_160, %mul3A_148] : memref<32x1000000xf32, #tpu.memory_space<hbm>> -> memref<32x512xf32, #tpu.memory_space<hbm>>
      tpu.wait_dma2 semaphore(%arg9 : memref<!tpu.dma_semaphore, #tpu.memory_space<semaphore_mem>>) src(%dma_wait3A_161 : memref<32x512xf32, #tpu.memory_space<hbm>>) dst(%dma_wait3A_159 : memref<32x512xf32, #tpu.memory_space<vmem>>)
      %scan3A_162 = arith.constant 0 : i32
      %scan3A_163 = arith.constant 0 : i32
      %scan3A_164 = arith.constant 32 : i32
      %scan3A_165 = arith.addi %scan3A_163, %scan3A_164 : i32
      %scan3A_166 = arith.constant 1 : i32
      scf.for %scan3A_191 = %scan3A_163 to %scan3A_165 step %scan3A_166  : i32 {
        %mul3A_192 = arith.constant 4 : i32
        %mul3A_193 = arith.muli %add3A_140, %mul3A_192 : i32
        %shift_right_arithmetic3A = arith.constant 3 : i32
        %shift_right_arithmetic3A_194 = arith.shrsi %scan3A_191, %shift_right_arithmetic3A : i32
        %add3A_195 = arith.addi %mul3A_193, %shift_right_arithmetic3A_194 : i32
        %and3A = arith.constant 7 : i32
        %and3A_196 = arith.andi %scan3A_191, %and3A : i32
        %mul3A_197 = arith.constant 16 : i32
        %mul3A_198 = arith.muli %and3A_196, %mul3A_197 : i32
        %get3A = arith.index_cast %add3A_195 : i32 to index
        %get3A_199 = arith.index_cast %mul3A_198 : i32 to index
        %get3A_200 = tpu.vector_load %arg7[%get3A, %get3A_199] {strides = array<i32>} : memref<200x128xf32, #tpu.memory_space<vmem>>, vector<1x16xf32>,
        %get3A_201 = vector.shape_cast %get3A_200 : vector<1x16xf32> to vector<16xf32>
        %sub3A = arith.constant 0.000000e+00 : f32
        %sub3A_202 = vector.broadcast %sub3A : f32 to vector<16xf32>
        %sub3A_203 = arith.subf %sub3A_202, %get3A_201 : vector<16xf32>
        %mul3A_204 = arith.constant 16 : i32
        %mul3A_205 = arith.muli %scan3A_191, %mul3A_204 : i32
        %get3A_206 = arith.constant 1 : i32
        %get3A_207 = arith.constant 0 : i32
        %get3A_208 = arith.index_cast %get3A_206 : i32 to index
        %get3A_209 = arith.index_cast %get3A_207 : i32 to index
        %get3A_210 = arith.index_cast %mul3A_205 : i32 to index
        %get3A_211 = tpu.vector_load %arg5[%get3A_208, %get3A_209, %get3A_210] {strides = array<i32>} : memref<2x32x512xf32, #tpu.memory_space<vmem>>, vector<1x1x16xf32>,
        %get3A_212 = vector.shape_cast %get3A_211 : vector<1x1x16xf32> to vector<16xf32>
        %mul3A_213 = arith.mulf %sub3A_203, %get3A_212 : vector<16xf32>
        %swap3A = arith.constant 1 : i32
        %swap3A_214 = arith.constant 0 : i32
        %swap3A_215 = arith.index_cast %swap3A : i32 to index
        %swap3A_216 = arith.index_cast %swap3A_214 : i32 to index
        %swap3A_217 = arith.index_cast %mul3A_205 : i32 to index
        %swap3A_218 = tpu.vector_load %arg6[%swap3A_215, %swap3A_216, %swap3A_217] {strides = array<i32>} : memref<2x32x512xf32, #tpu.memory_space<vmem>>, vector<1x1x16xf32>,
        %swap3A_219 = vector.shape_cast %swap3A_218 : vector<1x1x16xf32> to vector<16xf32>
        %swap3A_220 = vector.shape_cast %mul3A_213 : vector<16xf32> to vector<1x1x16xf32>
        tpu.vector_store %arg6[%swap3A_215, %swap3A_216, %swap3A_217], %swap3A_220 {strides = array<i32>} : memref<2x32x512xf32, #tpu.memory_space<vmem>>, vector<1x1x16xf32>,
        %get3A_221 = arith.constant 1 : i32
        %get3A_222 = arith.constant 1 : i32
        %get3A_223 = arith.index_cast %get3A_221 : i32 to index
        %get3A_224 = arith.index_cast %get3A_222 : i32 to index
        %get3A_225 = arith.index_cast %mul3A_205 : i32 to index
        %get3A_226 = tpu.vector_load %arg5[%get3A_223, %get3A_224, %get3A_225] {strides = array<i32>} : memref<2x32x512xf32, #tpu.memory_space<vmem>>, vector<1x1x16xf32>,
        %get3A_227 = vector.shape_cast %get3A_226 : vector<1x1x16xf32> to vector<16xf32>
        %mul3A_228 = arith.mulf %sub3A_203, %get3A_227 : vector<16xf32>
        %swap3A_229 = arith.constant 1 : i32
        %swap3A_230 = arith.constant 1 : i32
        %swap3A_231 = arith.index_cast %swap3A_229 : i32 to index
        %swap3A_232 = arith.index_cast %swap3A_230 : i32 to index
        %swap3A_233 = arith.index_cast %mul3A_205 : i32 to index
        %swap3A_234 = tpu.vector_load %arg6[%swap3A_231, %swap3A_232, %swap3A_233] {strides = array<i32>} : memref<2x32x512xf32, #tpu.memory_space<vmem>>, vector<1x1x16xf32>,
        %swap3A_235 = vector.shape_cast %swap3A_234 : vector<1x1x16xf32> to vector<16xf32>
        %swap3A_236 = vector.shape_cast %mul3A_228 : vector<16xf32> to vector<1x1x16xf32>
        tpu.vector_store %arg6[%swap3A_231, %swap3A_232, %swap3A_233], %swap3A_236 {strides = array<i32>} : memref<2x32x512xf32, #tpu.memory_space<vmem>>, vector<1x1x16xf32>,
        %get3A_237 = arith.constant 1 : i32
        %get3A_238 = arith.constant 2 : i32
        %get3A_239 = arith.index_cast %get3A_237 : i32 to index
        %get3A_240 = arith.index_cast %get3A_238 : i32 to index
        %get3A_241 = arith.index_cast %mul3A_205 : i32 to index
        %get3A_242 = tpu.vector_load %arg5[%get3A_239, %get3A_240, %get3A_241] {strides = array<i32>} : memref<2x32x512xf32, #tpu.memory_space<vmem>>, vector<1x1x16xf32>,
        %get3A_243 = vector.shape_cast %get3A_242 : vector<1x1x16xf32> to vector<16xf32>
        %mul3A_244 = arith.mulf %sub3A_203, %get3A_243 : vector<16xf32>
        %swap3A_245 = arith.constant 1 : i32
        %swap3A_246 = arith.constant 2 : i32
        %swap3A_247 = arith.index_cast %swap3A_245 : i32 to index
        %swap3A_248 = arith.index_cast %swap3A_246 : i32 to index
        %swap3A_249 = arith.index_cast %mul3A_205 : i32 to index
        %swap3A_250 = tpu.vector_load %arg6[%swap3A_247, %swap3A_248, %swap3A_249] {strides = array<i32>} : memref<2x32x512xf32, #tpu.memory_space<vmem>>, vector<1x1x16xf32>,
        %swap3A_251 = vector.shape_cast %swap3A_250 : vector<1x1x16xf32> to vector<16xf32>
        %swap3A_252 = vector.shape_cast %mul3A_244 : vector<16xf32> to vector<1x1x16xf32>
        tpu.vector_store %arg6[%swap3A_247, %swap3A_248, %swap3A_249], %swap3A_252 {strides = array<i32>} : memref<2x32x512xf32, #tpu.memory_space<vmem>>, vector<1x1x16xf32>,
        %get3A_253 = arith.constant 1 : i32
        %get3A_254 = arith.constant 3 : i32
        %get3A_255 = arith.index_cast %get3A_253 : i32 to index
        %get3A_256 = arith.index_cast %get3A_254 : i32 to index
        %get3A_257 = arith.index_cast %mul3A_205 : i32 to index
        %get3A_258 = tpu.vector_load %arg5[%get3A_255, %get3A_256, %get3A_257] {strides = array<i32>} : memref<2x32x512xf32, #tpu.memory_space<vmem>>, vector<1x1x16xf32>,
        %get3A_259 = vector.shape_cast %get3A_258 : vector<1x1x16xf32> to vector<16xf32>
        %mul3A_260 = arith.mulf %sub3A_203, %get3A_259 : vector<16xf32>
        %swap3A_261 = arith.constant 1 : i32
        %swap3A_262 = arith.constant 3 : i32
        %swap3A_263 = arith.index_cast %swap3A_261 : i32 to index
        %swap3A_264 = arith.index_cast %swap3A_262 : i32 to index
        %swap3A_265 = arith.index_cast %mul3A_205 : i32 to index
        %swap3A_266 = tpu.vector_load %arg6[%swap3A_263, %swap3A_264, %swap3A_265] {strides = array<i32>} : memref<2x32x512xf32, #tpu.memory_space<vmem>>, vector<1x1x16xf32>,
        %swap3A_267 = vector.shape_cast %swap3A_266 : vector<1x1x16xf32> to vector<16xf32>
        %swap3A_268 = vector.shape_cast %mul3A_260 : vector<16xf32> to vector<1x1x16xf32>
        tpu.vector_store %arg6[%swap3A_263, %swap3A_264, %swap3A_265], %swap3A_268 {strides = array<i32>} : memref<2x32x512xf32, #tpu.memory_space<vmem>>, vector<1x1x16xf32>,
        %get3A_269 = arith.constant 1 : i32
        %get3A_270 = arith.constant 4 : i32
        %get3A_271 = arith.index_cast %get3A_269 : i32 to index
        %get3A_272 = arith.index_cast %get3A_270 : i32 to index
        %get3A_273 = arith.index_cast %mul3A_205 : i32 to index
        %get3A_274 = tpu.vector_load %arg5[%get3A_271, %get3A_272, %get3A_273] {strides = array<i32>} : memref<2x32x512xf32, #tpu.memory_space<vmem>>, vector<1x1x16xf32>,
        %get3A_275 = vector.shape_cast %get3A_274 : vector<1x1x16xf32> to vector<16xf32>
        %mul3A_276 = arith.mulf %sub3A_203, %get3A_275 : vector<16xf32>
        %swap3A_277 = arith.constant 1 : i32
        %swap3A_278 = arith.constant 4 : i32
        %swap3A_279 = arith.index_cast %swap3A_277 : i32 to index
        %swap3A_280 = arith.index_cast %swap3A_278 : i32 to index
        %swap3A_281 = arith.index_cast %mul3A_205 : i32 to index
        %swap3A_282 = tpu.vector_load %arg6[%swap3A_279, %swap3A_280, %swap3A_281] {strides = array<i32>} : memref<2x32x512xf32, #tpu.memory_space<vmem>>, vector<1x1x16xf32>,
        %swap3A_283 = vector.shape_cast %swap3A_282 : vector<1x1x16xf32> to vector<16xf32>
        %swap3A_284 = vector.shape_cast %mul3A_276 : vector<16xf32> to vector<1x1x16xf32>
        tpu.vector_store %arg6[%swap3A_279, %swap3A_280, %swap3A_281], %swap3A_284 {strides = array<i32>} : memref<2x32x512xf32, #tpu.memory_space<vmem>>, vector<1x1x16xf32>,
        %get3A_285 = arith.constant 1 : i32
        %get3A_286 = arith.constant 5 : i32
        %get3A_287 = arith.index_cast %get3A_285 : i32 to index
        %get3A_288 = arith.index_cast %get3A_286 : i32 to index
        %get3A_289 = arith.index_cast %mul3A_205 : i32 to index
        %get3A_290 = tpu.vector_load %arg5[%get3A_287, %get3A_288, %get3A_289] {strides = array<i32>} : memref<2x32x512xf32, #tpu.memory_space<vmem>>, vector<1x1x16xf32>,
        %get3A_291 = vector.shape_cast %get3A_290 : vector<1x1x16xf32> to vector<16xf32>
        %mul3A_292 = arith.mulf %sub3A_203, %get3A_291 : vector<16xf32>
        %swap3A_293 = arith.constant 1 : i32
        %swap3A_294 = arith.constant 5 : i32
        %swap3A_295 = arith.index_cast %swap3A_293 : i32 to index
        %swap3A_296 = arith.index_cast %swap3A_294 : i32 to index
        %swap3A_297 = arith.index_cast %mul3A_205 : i32 to index
        %swap3A_298 = tpu.vector_load %arg6[%swap3A_295, %swap3A_296, %swap3A_297] {strides = array<i32>} : memref<2x32x512xf32, #tpu.memory_space<vmem>>, vector<1x1x16xf32>,
        %swap3A_299 = vector.shape_cast %swap3A_298 : vector<1x1x16xf32> to vector<16xf32>
        %swap3A_300 = vector.shape_cast %mul3A_292 : vector<16xf32> to vector<1x1x16xf32>
        tpu.vector_store %arg6[%swap3A_295, %swap3A_296, %swap3A_297], %swap3A_300 {strides = array<i32>} : memref<2x32x512xf32, #tpu.memory_space<vmem>>, vector<1x1x16xf32>,
        %get3A_301 = arith.constant 1 : i32
        %get3A_302 = arith.constant 6 : i32
        %get3A_303 = arith.index_cast %get3A_301 : i32 to index
        %get3A_304 = arith.index_cast %get3A_302 : i32 to index
        %get3A_305 = arith.index_cast %mul3A_205 : i32 to index
        %get3A_306 = tpu.vector_load %arg5[%get3A_303, %get3A_304, %get3A_305] {strides = array<i32>} : memref<2x32x512xf32, #tpu.memory_space<vmem>>, vector<1x1x16xf32>,
        %get3A_307 = vector.shape_cast %get3A_306 : vector<1x1x16xf32> to vector<16xf32>
        %mul3A_308 = arith.mulf %sub3A_203, %get3A_307 : vector<16xf32>
        %swap3A_309 = arith.constant 1 : i32
        %swap3A_310 = arith.constant 6 : i32
        %swap3A_311 = arith.index_cast %swap3A_309 : i32 to index
        %swap3A_312 = arith.index_cast %swap3A_310 : i32 to index
        %swap3A_313 = arith.index_cast %mul3A_205 : i32 to index
        %swap3A_314 = tpu.vector_load %arg6[%swap3A_311, %swap3A_312, %swap3A_313] {strides = array<i32>} : memref<2x32x512xf32, #tpu.memory_space<vmem>>, vector<1x1x16xf32>,
        %swap3A_315 = vector.shape_cast %swap3A_314 : vector<1x1x16xf32> to vector<16xf32>
        %swap3A_316 = vector.shape_cast %mul3A_308 : vector<16xf32> to vector<1x1x16xf32>
        tpu.vector_store %arg6[%swap3A_311, %swap3A_312, %swap3A_313], %swap3A_316 {strides = array<i32>} : memref<2x32x512xf32, #tpu.memory_space<vmem>>, vector<1x1x16xf32>,
        %get3A_317 = arith.constant 1 : i32
        %get3A_318 = arith.constant 7 : i32
        %get3A_319 = arith.index_cast %get3A_317 : i32 to index
        %get3A_320 = arith.index_cast %get3A_318 : i32 to index
        %get3A_321 = arith.index_cast %mul3A_205 : i32 to index
        %get3A_322 = tpu.vector_load %arg5[%get3A_319, %get3A_320, %get3A_321] {strides = array<i32>} : memref<2x32x512xf32, #tpu.memory_space<vmem>>, vector<1x1x16xf32>,
        %get3A_323 = vector.shape_cast %get3A_322 : vector<1x1x16xf32> to vector<16xf32>
        %mul3A_324 = arith.mulf %sub3A_203, %get3A_323 : vector<16xf32>
        %swap3A_325 = arith.constant 1 : i32
        %swap3A_326 = arith.constant 7 : i32
        %swap3A_327 = arith.index_cast %swap3A_325 : i32 to index
        %swap3A_328 = arith.index_cast %swap3A_326 : i32 to index
        %swap3A_329 = arith.index_cast %mul3A_205 : i32 to index
        %swap3A_330 = tpu.vector_load %arg6[%swap3A_327, %swap3A_328, %swap3A_329] {strides = array<i32>} : memref<2x32x512xf32, #tpu.memory_space<vmem>>, vector<1x1x16xf32>,
        %swap3A_331 = vector.shape_cast %swap3A_330 : vector<1x1x16xf32> to vector<16xf32>
        %swap3A_332 = vector.shape_cast %mul3A_324 : vector<16xf32> to vector<1x1x16xf32>
        tpu.vector_store %arg6[%swap3A_327, %swap3A_328, %swap3A_329], %swap3A_332 {strides = array<i32>} : memref<2x32x512xf32, #tpu.memory_space<vmem>>, vector<1x1x16xf32>,
        %get3A_333 = arith.constant 1 : i32
        %get3A_334 = arith.constant 8 : i32
        %get3A_335 = arith.index_cast %get3A_333 : i32 to index
        %get3A_336 = arith.index_cast %get3A_334 : i32 to index
        %get3A_337 = arith.index_cast %mul3A_205 : i32 to index
        %get3A_338 = tpu.vector_load %arg5[%get3A_335, %get3A_336, %get3A_337] {strides = array<i32>} : memref<2x32x512xf32, #tpu.memory_space<vmem>>, vector<1x1x16xf32>,
        %get3A_339 = vector.shape_cast %get3A_338 : vector<1x1x16xf32> to vector<16xf32>
        %mul3A_340 = arith.mulf %sub3A_203, %get3A_339 : vector<16xf32>
        %swap3A_341 = arith.constant 1 : i32
        %swap3A_342 = arith.constant 8 : i32
        %swap3A_343 = arith.index_cast %swap3A_341 : i32 to index
        %swap3A_344 = arith.index_cast %swap3A_342 : i32 to index
        %swap3A_345 = arith.index_cast %mul3A_205 : i32 to index
        %swap3A_346 = tpu.vector_load %arg6[%swap3A_343, %swap3A_344, %swap3A_345] {strides = array<i32>} : memref<2x32x512xf32, #tpu.memory_space<vmem>>, vector<1x1x16xf32>,
        %swap3A_347 = vector.shape_cast %swap3A_346 : vector<1x1x16xf32> to vector<16xf32>
        %swap3A_348 = vector.shape_cast %mul3A_340 : vector<16xf32> to vector<1x1x16xf32>
        tpu.vector_store %arg6[%swap3A_343, %swap3A_344, %swap3A_345], %swap3A_348 {strides = array<i32>} : memref<2x32x512xf32, #tpu.memory_space<vmem>>, vector<1x1x16xf32>,
        %get3A_349 = arith.constant 1 : i32
        %get3A_350 = arith.constant 9 : i32
        %get3A_351 = arith.index_cast %get3A_349 : i32 to index
        %get3A_352 = arith.index_cast %get3A_350 : i32 to index
        %get3A_353 = arith.index_cast %mul3A_205 : i32 to index
        %get3A_354 = tpu.vector_load %arg5[%get3A_351, %get3A_352, %get3A_353] {strides = array<i32>} : memref<2x32x512xf32, #tpu.memory_space<vmem>>, vector<1x1x16xf32>,
        %get3A_355 = vector.shape_cast %get3A_354 : vector<1x1x16xf32> to vector<16xf32>
        %mul3A_356 = arith.mulf %sub3A_203, %get3A_355 : vector<16xf32>
        %swap3A_357 = arith.constant 1 : i32
        %swap3A_358 = arith.constant 9 : i32
        %swap3A_359 = arith.index_cast %swap3A_357 : i32 to index
        %swap3A_360 = arith.index_cast %swap3A_358 : i32 to index
        %swap3A_361 = arith.index_cast %mul3A_205 : i32 to index
        %swap3A_362 = tpu.vector_load %arg6[%swap3A_359, %swap3A_360, %swap3A_361] {strides = array<i32>} : memref<2x32x512xf32, #tpu.memory_space<vmem>>, vector<1x1x16xf32>,
        %swap3A_363 = vector.shape_cast %swap3A_362 : vector<1x1x16xf32> to vector<16xf32>
        %swap3A_364 = vector.shape_cast %mul3A_356 : vector<16xf32> to vector<1x1x16xf32>
        tpu.vector_store %arg6[%swap3A_359, %swap3A_360, %swap3A_361], %swap3A_364 {strides = array<i32>} : memref<2x32x512xf32, #tpu.memory_space<vmem>>, vector<1x1x16xf32>,
        %get3A_365 = arith.constant 1 : i32
        %get3A_366 = arith.constant 10 : i32
        %get3A_367 = arith.index_cast %get3A_365 : i32 to index
        %get3A_368 = arith.index_cast %get3A_366 : i32 to index
        %get3A_369 = arith.index_cast %mul3A_205 : i32 to index
        %get3A_370 = tpu.vector_load %arg5[%get3A_367, %get3A_368, %get3A_369] {strides = array<i32>} : memref<2x32x512xf32, #tpu.memory_space<vmem>>, vector<1x1x16xf32>,
        %get3A_371 = vector.shape_cast %get3A_370 : vector<1x1x16xf32> to vector<16xf32>
        %mul3A_372 = arith.mulf %sub3A_203, %get3A_371 : vector<16xf32>
        %swap3A_373 = arith.constant 1 : i32
        %swap3A_374 = arith.constant 10 : i32
        %swap3A_375 = arith.index_cast %swap3A_373 : i32 to index
        %swap3A_376 = arith.index_cast %swap3A_374 : i32 to index
        %swap3A_377 = arith.index_cast %mul3A_205 : i32 to index
        %swap3A_378 = tpu.vector_load %arg6[%swap3A_375, %swap3A_376, %swap3A_377] {strides = array<i32>} : memref<2x32x512xf32, #tpu.memory_space<vmem>>, vector<1x1x16xf32>,
        %swap3A_379 = vector.shape_cast %swap3A_378 : vector<1x1x16xf32> to vector<16xf32>
        %swap3A_380 = vector.shape_cast %mul3A_372 : vector<16xf32> to vector<1x1x16xf32>
        tpu.vector_store %arg6[%swap3A_375, %swap3A_376, %swap3A_377], %swap3A_380 {strides = array<i32>} : memref<2x32x512xf32, #tpu.memory_space<vmem>>, vector<1x1x16xf32>,
        %get3A_381 = arith.constant 1 : i32
        %get3A_382 = arith.constant 11 : i32
        %get3A_383 = arith.index_cast %get3A_381 : i32 to index
        %get3A_384 = arith.index_cast %get3A_382 : i32 to index
        %get3A_385 = arith.index_cast %mul3A_205 : i32 to index
        %get3A_386 = tpu.vector_load %arg5[%get3A_383, %get3A_384, %get3A_385] {strides = array<i32>} : memref<2x32x512xf32, #tpu.memory_space<vmem>>, vector<1x1x16xf32>,
        %get3A_387 = vector.shape_cast %get3A_386 : vector<1x1x16xf32> to vector<16xf32>
        %mul3A_388 = arith.mulf %sub3A_203, %get3A_387 : vector<16xf32>
        %swap3A_389 = arith.constant 1 : i32
        %swap3A_390 = arith.constant 11 : i32
        %swap3A_391 = arith.index_cast %swap3A_389 : i32 to index
        %swap3A_392 = arith.index_cast %swap3A_390 : i32 to index
        %swap3A_393 = arith.index_cast %mul3A_205 : i32 to index
        %swap3A_394 = tpu.vector_load %arg6[%swap3A_391, %swap3A_392, %swap3A_393] {strides = array<i32>} : memref<2x32x512xf32, #tpu.memory_space<vmem>>, vector<1x1x16xf32>,
        %swap3A_395 = vector.shape_cast %swap3A_394 : vector<1x1x16xf32> to vector<16xf32>
        %swap3A_396 = vector.shape_cast %mul3A_388 : vector<16xf32> to vector<1x1x16xf32>
        tpu.vector_store %arg6[%swap3A_391, %swap3A_392, %swap3A_393], %swap3A_396 {strides = array<i32>} : memref<2x32x512xf32, #tpu.memory_space<vmem>>, vector<1x1x16xf32>,
        %get3A_397 = arith.constant 1 : i32
        %get3A_398 = arith.constant 12 : i32
        %get3A_399 = arith.index_cast %get3A_397 : i32 to index
        %get3A_400 = arith.index_cast %get3A_398 : i32 to index
        %get3A_401 = arith.index_cast %mul3A_205 : i32 to index
        %get3A_402 = tpu.vector_load %arg5[%get3A_399, %get3A_400, %get3A_401] {strides = array<i32>} : memref<2x32x512xf32, #tpu.memory_space<vmem>>, vector<1x1x16xf32>,
        %get3A_403 = vector.shape_cast %get3A_402 : vector<1x1x16xf32> to vector<16xf32>
        %mul3A_404 = arith.mulf %sub3A_203, %get3A_403 : vector<16xf32>
        %swap3A_405 = arith.constant 1 : i32
        %swap3A_406 = arith.constant 12 : i32
        %swap3A_407 = arith.index_cast %swap3A_405 : i32 to index
        %swap3A_408 = arith.index_cast %swap3A_406 : i32 to index
        %swap3A_409 = arith.index_cast %mul3A_205 : i32 to index
        %swap3A_410 = tpu.vector_load %arg6[%swap3A_407, %swap3A_408, %swap3A_409] {strides = array<i32>} : memref<2x32x512xf32, #tpu.memory_space<vmem>>, vector<1x1x16xf32>,
        %swap3A_411 = vector.shape_cast %swap3A_410 : vector<1x1x16xf32> to vector<16xf32>
        %swap3A_412 = vector.shape_cast %mul3A_404 : vector<16xf32> to vector<1x1x16xf32>
        tpu.vector_store %arg6[%swap3A_407, %swap3A_408, %swap3A_409], %swap3A_412 {strides = array<i32>} : memref<2x32x512xf32, #tpu.memory_space<vmem>>, vector<1x1x16xf32>,
        %get3A_413 = arith.constant 1 : i32
        %get3A_414 = arith.constant 13 : i32
        %get3A_415 = arith.index_cast %get3A_413 : i32 to index
        %get3A_416 = arith.index_cast %get3A_414 : i32 to index
        %get3A_417 = arith.index_cast %mul3A_205 : i32 to index
        %get3A_418 = tpu.vector_load %arg5[%get3A_415, %get3A_416, %get3A_417] {strides = array<i32>} : memref<2x32x512xf32, #tpu.memory_space<vmem>>, vector<1x1x16xf32>,
        %get3A_419 = vector.shape_cast %get3A_418 : vector<1x1x16xf32> to vector<16xf32>
        %mul3A_420 = arith.mulf %sub3A_203, %get3A_419 : vector<16xf32>
        %swap3A_421 = arith.constant 1 : i32
        %swap3A_422 = arith.constant 13 : i32
        %swap3A_423 = arith.index_cast %swap3A_421 : i32 to index
        %swap3A_424 = arith.index_cast %swap3A_422 : i32 to index
        %swap3A_425 = arith.index_cast %mul3A_205 : i32 to index
        %swap3A_426 = tpu.vector_load %arg6[%swap3A_423, %swap3A_424, %swap3A_425] {strides = array<i32>} : memref<2x32x512xf32, #tpu.memory_space<vmem>>, vector<1x1x16xf32>,
        %swap3A_427 = vector.shape_cast %swap3A_426 : vector<1x1x16xf32> to vector<16xf32>
        %swap3A_428 = vector.shape_cast %mul3A_420 : vector<16xf32> to vector<1x1x16xf32>
        tpu.vector_store %arg6[%swap3A_423, %swap3A_424, %swap3A_425], %swap3A_428 {strides = array<i32>} : memref<2x32x512xf32, #tpu.memory_space<vmem>>, vector<1x1x16xf32>,
        %get3A_429 = arith.constant 1 : i32
        %get3A_430 = arith.constant 14 : i32
        %get3A_431 = arith.index_cast %get3A_429 : i32 to index
        %get3A_432 = arith.index_cast %get3A_430 : i32 to index
        %get3A_433 = arith.index_cast %mul3A_205 : i32 to index
        %get3A_434 = tpu.vector_load %arg5[%get3A_431, %get3A_432, %get3A_433] {strides = array<i32>} : memref<2x32x512xf32, #tpu.memory_space<vmem>>, vector<1x1x16xf32>,
        %get3A_435 = vector.shape_cast %get3A_434 : vector<1x1x16xf32> to vector<16xf32>
        %mul3A_436 = arith.mulf %sub3A_203, %get3A_435 : vector<16xf32>
        %swap3A_437 = arith.constant 1 : i32
        %swap3A_438 = arith.constant 14 : i32
        %swap3A_439 = arith.index_cast %swap3A_437 : i32 to index
        %swap3A_440 = arith.index_cast %swap3A_438 : i32 to index
        %swap3A_441 = arith.index_cast %mul3A_205 : i32 to index
        %swap3A_442 = tpu.vector_load %arg6[%swap3A_439, %swap3A_440, %swap3A_441] {strides = array<i32>} : memref<2x32x512xf32, #tpu.memory_space<vmem>>, vector<1x1x16xf32>,
        %swap3A_443 = vector.shape_cast %swap3A_442 : vector<1x1x16xf32> to vector<16xf32>
        %swap3A_444 = vector.shape_cast %mul3A_436 : vector<16xf32> to vector<1x1x16xf32>
        tpu.vector_store %arg6[%swap3A_439, %swap3A_440, %swap3A_441], %swap3A_444 {strides = array<i32>} : memref<2x32x512xf32, #tpu.memory_space<vmem>>, vector<1x1x16xf32>,
        %get3A_445 = arith.constant 1 : i32
        %get3A_446 = arith.constant 15 : i32
        %get3A_447 = arith.index_cast %get3A_445 : i32 to index
        %get3A_448 = arith.index_cast %get3A_446 : i32 to index
        %get3A_449 = arith.index_cast %mul3A_205 : i32 to index
        %get3A_450 = tpu.vector_load %arg5[%get3A_447, %get3A_448, %get3A_449] {strides = array<i32>} : memref<2x32x512xf32, #tpu.memory_space<vmem>>, vector<1x1x16xf32>,
        %get3A_451 = vector.shape_cast %get3A_450 : vector<1x1x16xf32> to vector<16xf32>
        %mul3A_452 = arith.mulf %sub3A_203, %get3A_451 : vector<16xf32>
        %swap3A_453 = arith.constant 1 : i32
        %swap3A_454 = arith.constant 15 : i32
        %swap3A_455 = arith.index_cast %swap3A_453 : i32 to index
        %swap3A_456 = arith.index_cast %swap3A_454 : i32 to index
        %swap3A_457 = arith.index_cast %mul3A_205 : i32 to index
        %swap3A_458 = tpu.vector_load %arg6[%swap3A_455, %swap3A_456, %swap3A_457] {strides = array<i32>} : memref<2x32x512xf32, #tpu.memory_space<vmem>>, vector<1x1x16xf32>,
        %swap3A_459 = vector.shape_cast %swap3A_458 : vector<1x1x16xf32> to vector<16xf32>
        %swap3A_460 = vector.shape_cast %mul3A_452 : vector<16xf32> to vector<1x1x16xf32>
        tpu.vector_store %arg6[%swap3A_455, %swap3A_456, %swap3A_457], %swap3A_460 {strides = array<i32>} : memref<2x32x512xf32, #tpu.memory_space<vmem>>, vector<1x1x16xf32>,
        %get3A_461 = arith.constant 1 : i32
        %get3A_462 = arith.constant 16 : i32
        %get3A_463 = arith.index_cast %get3A_461 : i32 to index
        %get3A_464 = arith.index_cast %get3A_462 : i32 to index
        %get3A_465 = arith.index_cast %mul3A_205 : i32 to index
        %get3A_466 = tpu.vector_load %arg5[%get3A_463, %get3A_464, %get3A_465] {strides = array<i32>} : memref<2x32x512xf32, #tpu.memory_space<vmem>>, vector<1x1x16xf32>,
        %get3A_467 = vector.shape_cast %get3A_466 : vector<1x1x16xf32> to vector<16xf32>
        %mul3A_468 = arith.mulf %sub3A_203, %get3A_467 : vector<16xf32>
        %swap3A_469 = arith.constant 1 : i32
        %swap3A_470 = arith.constant 16 : i32
        %swap3A_471 = arith.index_cast %swap3A_469 : i32 to index
        %swap3A_472 = arith.index_cast %swap3A_470 : i32 to index
        %swap3A_473 = arith.index_cast %mul3A_205 : i32 to index
        %swap3A_474 = tpu.vector_load %arg6[%swap3A_471, %swap3A_472, %swap3A_473] {strides = array<i32>} : memref<2x32x512xf32, #tpu.memory_space<vmem>>, vector<1x1x16xf32>,
        %swap3A_475 = vector.shape_cast %swap3A_474 : vector<1x1x16xf32> to vector<16xf32>
        %swap3A_476 = vector.shape_cast %mul3A_468 : vector<16xf32> to vector<1x1x16xf32>
        tpu.vector_store %arg6[%swap3A_471, %swap3A_472, %swap3A_473], %swap3A_476 {strides = array<i32>} : memref<2x32x512xf32, #tpu.memory_space<vmem>>, vector<1x1x16xf32>,
        %get3A_477 = arith.constant 1 : i32
        %get3A_478 = arith.constant 17 : i32
        %get3A_479 = arith.index_cast %get3A_477 : i32 to index
        %get3A_480 = arith.index_cast %get3A_478 : i32 to index
        %get3A_481 = arith.index_cast %mul3A_205 : i32 to index
        %get3A_482 = tpu.vector_load %arg5[%get3A_479, %get3A_480, %get3A_481] {strides = array<i32>} : memref<2x32x512xf32, #tpu.memory_space<vmem>>, vector<1x1x16xf32>,
        %get3A_483 = vector.shape_cast %get3A_482 : vector<1x1x16xf32> to vector<16xf32>
        %mul3A_484 = arith.mulf %sub3A_203, %get3A_483 : vector<16xf32>
        %swap3A_485 = arith.constant 1 : i32
        %swap3A_486 = arith.constant 17 : i32
        %swap3A_487 = arith.index_cast %swap3A_485 : i32 to index
        %swap3A_488 = arith.index_cast %swap3A_486 : i32 to index
        %swap3A_489 = arith.index_cast %mul3A_205 : i32 to index
        %swap3A_490 = tpu.vector_load %arg6[%swap3A_487, %swap3A_488, %swap3A_489] {strides = array<i32>} : memref<2x32x512xf32, #tpu.memory_space<vmem>>, vector<1x1x16xf32>,
        %swap3A_491 = vector.shape_cast %swap3A_490 : vector<1x1x16xf32> to vector<16xf32>
        %swap3A_492 = vector.shape_cast %mul3A_484 : vector<16xf32> to vector<1x1x16xf32>
        tpu.vector_store %arg6[%swap3A_487, %swap3A_488, %swap3A_489], %swap3A_492 {strides = array<i32>} : memref<2x32x512xf32, #tpu.memory_space<vmem>>, vector<1x1x16xf32>,
        %get3A_493 = arith.constant 1 : i32
        %get3A_494 = arith.constant 18 : i32
        %get3A_495 = arith.index_cast %get3A_493 : i32 to index
        %get3A_496 = arith.index_cast %get3A_494 : i32 to index
        %get3A_497 = arith.index_cast %mul3A_205 : i32 to index
        %get3A_498 = tpu.vector_load %arg5[%get3A_495, %get3A_496, %get3A_497] {strides = array<i32>} : memref<2x32x512xf32, #tpu.memory_space<vmem>>, vector<1x1x16xf32>,
        %get3A_499 = vector.shape_cast %get3A_498 : vector<1x1x16xf32> to vector<16xf32>
        %mul3A_500 = arith.mulf %sub3A_203, %get3A_499 : vector<16xf32>
        %swap3A_501 = arith.constant 1 : i32
        %swap3A_502 = arith.constant 18 : i32
        %swap3A_503 = arith.index_cast %swap3A_501 : i32 to index
        %swap3A_504 = arith.index_cast %swap3A_502 : i32 to index
        %swap3A_505 = arith.index_cast %mul3A_205 : i32 to index
        %swap3A_506 = tpu.vector_load %arg6[%swap3A_503, %swap3A_504, %swap3A_505] {strides = array<i32>} : memref<2x32x512xf32, #tpu.memory_space<vmem>>, vector<1x1x16xf32>,
        %swap3A_507 = vector.shape_cast %swap3A_506 : vector<1x1x16xf32> to vector<16xf32>
        %swap3A_508 = vector.shape_cast %mul3A_500 : vector<16xf32> to vector<1x1x16xf32>
        tpu.vector_store %arg6[%swap3A_503, %swap3A_504, %swap3A_505], %swap3A_508 {strides = array<i32>} : memref<2x32x512xf32, #tpu.memory_space<vmem>>, vector<1x1x16xf32>,
        %get3A_509 = arith.constant 1 : i32
        %get3A_510 = arith.constant 19 : i32
        %get3A_511 = arith.index_cast %get3A_509 : i32 to index
        %get3A_512 = arith.index_cast %get3A_510 : i32 to index
        %get3A_513 = arith.index_cast %mul3A_205 : i32 to index
        %get3A_514 = tpu.vector_load %arg5[%get3A_511, %get3A_512, %get3A_513] {strides = array<i32>} : memref<2x32x512xf32, #tpu.memory_space<vmem>>, vector<1x1x16xf32>,
        %get3A_515 = vector.shape_cast %get3A_514 : vector<1x1x16xf32> to vector<16xf32>
        %mul3A_516 = arith.mulf %sub3A_203, %get3A_515 : vector<16xf32>
        %swap3A_517 = arith.constant 1 : i32
        %swap3A_518 = arith.constant 19 : i32
        %swap3A_519 = arith.index_cast %swap3A_517 : i32 to index
        %swap3A_520 = arith.index_cast %swap3A_518 : i32 to index
        %swap3A_521 = arith.index_cast %mul3A_205 : i32 to index
        %swap3A_522 = tpu.vector_load %arg6[%swap3A_519, %swap3A_520, %swap3A_521] {strides = array<i32>} : memref<2x32x512xf32, #tpu.memory_space<vmem>>, vector<1x1x16xf32>,
        %swap3A_523 = vector.shape_cast %swap3A_522 : vector<1x1x16xf32> to vector<16xf32>
        %swap3A_524 = vector.shape_cast %mul3A_516 : vector<16xf32> to vector<1x1x16xf32>
        tpu.vector_store %arg6[%swap3A_519, %swap3A_520, %swap3A_521], %swap3A_524 {strides = array<i32>} : memref<2x32x512xf32, #tpu.memory_space<vmem>>, vector<1x1x16xf32>,
        %get3A_525 = arith.constant 1 : i32
        %get3A_526 = arith.constant 20 : i32
        %get3A_527 = arith.index_cast %get3A_525 : i32 to index
        %get3A_528 = arith.index_cast %get3A_526 : i32 to index
        %get3A_529 = arith.index_cast %mul3A_205 : i32 to index
        %get3A_530 = tpu.vector_load %arg5[%get3A_527, %get3A_528, %get3A_529] {strides = array<i32>} : memref<2x32x512xf32, #tpu.memory_space<vmem>>, vector<1x1x16xf32>,
        %get3A_531 = vector.shape_cast %get3A_530 : vector<1x1x16xf32> to vector<16xf32>
        %mul3A_532 = arith.mulf %sub3A_203, %get3A_531 : vector<16xf32>
        %swap3A_533 = arith.constant 1 : i32
        %swap3A_534 = arith.constant 20 : i32
        %swap3A_535 = arith.index_cast %swap3A_533 : i32 to index
        %swap3A_536 = arith.index_cast %swap3A_534 : i32 to index
        %swap3A_537 = arith.index_cast %mul3A_205 : i32 to index
        %swap3A_538 = tpu.vector_load %arg6[%swap3A_535, %swap3A_536, %swap3A_537] {strides = array<i32>} : memref<2x32x512xf32, #tpu.memory_space<vmem>>, vector<1x1x16xf32>,
        %swap3A_539 = vector.shape_cast %swap3A_538 : vector<1x1x16xf32> to vector<16xf32>
        %swap3A_540 = vector.shape_cast %mul3A_532 : vector<16xf32> to vector<1x1x16xf32>
        tpu.vector_store %arg6[%swap3A_535, %swap3A_536, %swap3A_537], %swap3A_540 {strides = array<i32>} : memref<2x32x512xf32, #tpu.memory_space<vmem>>, vector<1x1x16xf32>,
        %get3A_541 = arith.constant 1 : i32
        %get3A_542 = arith.constant 21 : i32
        %get3A_543 = arith.index_cast %get3A_541 : i32 to index
        %get3A_544 = arith.index_cast %get3A_542 : i32 to index
        %get3A_545 = arith.index_cast %mul3A_205 : i32 to index
        %get3A_546 = tpu.vector_load %arg5[%get3A_543, %get3A_544, %get3A_545] {strides = array<i32>} : memref<2x32x512xf32, #tpu.memory_space<vmem>>, vector<1x1x16xf32>,
        %get3A_547 = vector.shape_cast %get3A_546 : vector<1x1x16xf32> to vector<16xf32>
        %mul3A_548 = arith.mulf %sub3A_203, %get3A_547 : vector<16xf32>
        %swap3A_549 = arith.constant 1 : i32
        %swap3A_550 = arith.constant 21 : i32
        %swap3A_551 = arith.index_cast %swap3A_549 : i32 to index
        %swap3A_552 = arith.index_cast %swap3A_550 : i32 to index
        %swap3A_553 = arith.index_cast %mul3A_205 : i32 to index
        %swap3A_554 = tpu.vector_load %arg6[%swap3A_551, %swap3A_552, %swap3A_553] {strides = array<i32>} : memref<2x32x512xf32, #tpu.memory_space<vmem>>, vector<1x1x16xf32>,
        %swap3A_555 = vector.shape_cast %swap3A_554 : vector<1x1x16xf32> to vector<16xf32>
        %swap3A_556 = vector.shape_cast %mul3A_548 : vector<16xf32> to vector<1x1x16xf32>
        tpu.vector_store %arg6[%swap3A_551, %swap3A_552, %swap3A_553], %swap3A_556 {strides = array<i32>} : memref<2x32x512xf32, #tpu.memory_space<vmem>>, vector<1x1x16xf32>,
        %get3A_557 = arith.constant 1 : i32
        %get3A_558 = arith.constant 22 : i32
        %get3A_559 = arith.index_cast %get3A_557 : i32 to index
        %get3A_560 = arith.index_cast %get3A_558 : i32 to index
        %get3A_561 = arith.index_cast %mul3A_205 : i32 to index
        %get3A_562 = tpu.vector_load %arg5[%get3A_559, %get3A_560, %get3A_561] {strides = array<i32>} : memref<2x32x512xf32, #tpu.memory_space<vmem>>, vector<1x1x16xf32>,
        %get3A_563 = vector.shape_cast %get3A_562 : vector<1x1x16xf32> to vector<16xf32>
        %mul3A_564 = arith.mulf %sub3A_203, %get3A_563 : vector<16xf32>
        %swap3A_565 = arith.constant 1 : i32
        %swap3A_566 = arith.constant 22 : i32
        %swap3A_567 = arith.index_cast %swap3A_565 : i32 to index
        %swap3A_568 = arith.index_cast %swap3A_566 : i32 to index
        %swap3A_569 = arith.index_cast %mul3A_205 : i32 to index
        %swap3A_570 = tpu.vector_load %arg6[%swap3A_567, %swap3A_568, %swap3A_569] {strides = array<i32>} : memref<2x32x512xf32, #tpu.memory_space<vmem>>, vector<1x1x16xf32>,
        %swap3A_571 = vector.shape_cast %swap3A_570 : vector<1x1x16xf32> to vector<16xf32>
        %swap3A_572 = vector.shape_cast %mul3A_564 : vector<16xf32> to vector<1x1x16xf32>
        tpu.vector_store %arg6[%swap3A_567, %swap3A_568, %swap3A_569], %swap3A_572 {strides = array<i32>} : memref<2x32x512xf32, #tpu.memory_space<vmem>>, vector<1x1x16xf32>,
        %get3A_573 = arith.constant 1 : i32
        %get3A_574 = arith.constant 23 : i32
        %get3A_575 = arith.index_cast %get3A_573 : i32 to index
        %get3A_576 = arith.index_cast %get3A_574 : i32 to index
        %get3A_577 = arith.index_cast %mul3A_205 : i32 to index
        %get3A_578 = tpu.vector_load %arg5[%get3A_575, %get3A_576, %get3A_577] {strides = array<i32>} : memref<2x32x512xf32, #tpu.memory_space<vmem>>, vector<1x1x16xf32>,
        %get3A_579 = vector.shape_cast %get3A_578 : vector<1x1x16xf32> to vector<16xf32>
        %mul3A_580 = arith.mulf %sub3A_203, %get3A_579 : vector<16xf32>
        %swap3A_581 = arith.constant 1 : i32
        %swap3A_582 = arith.constant 23 : i32
        %swap3A_583 = arith.index_cast %swap3A_581 : i32 to index
        %swap3A_584 = arith.index_cast %swap3A_582 : i32 to index
        %swap3A_585 = arith.index_cast %mul3A_205 : i32 to index
        %swap3A_586 = tpu.vector_load %arg6[%swap3A_583, %swap3A_584, %swap3A_585] {strides = array<i32>} : memref<2x32x512xf32, #tpu.memory_space<vmem>>, vector<1x1x16xf32>,
        %swap3A_587 = vector.shape_cast %swap3A_586 : vector<1x1x16xf32> to vector<16xf32>
        %swap3A_588 = vector.shape_cast %mul3A_580 : vector<16xf32> to vector<1x1x16xf32>
        tpu.vector_store %arg6[%swap3A_583, %swap3A_584, %swap3A_585], %swap3A_588 {strides = array<i32>} : memref<2x32x512xf32, #tpu.memory_space<vmem>>, vector<1x1x16xf32>,
        %get3A_589 = arith.constant 1 : i32
        %get3A_590 = arith.constant 24 : i32
        %get3A_591 = arith.index_cast %get3A_589 : i32 to index
        %get3A_592 = arith.index_cast %get3A_590 : i32 to index
        %get3A_593 = arith.index_cast %mul3A_205 : i32 to index
        %get3A_594 = tpu.vector_load %arg5[%get3A_591, %get3A_592, %get3A_593] {strides = array<i32>} : memref<2x32x512xf32, #tpu.memory_space<vmem>>, vector<1x1x16xf32>,
        %get3A_595 = vector.shape_cast %get3A_594 : vector<1x1x16xf32> to vector<16xf32>
        %mul3A_596 = arith.mulf %sub3A_203, %get3A_595 : vector<16xf32>
        %swap3A_597 = arith.constant 1 : i32
        %swap3A_598 = arith.constant 24 : i32
        %swap3A_599 = arith.index_cast %swap3A_597 : i32 to index
        %swap3A_600 = arith.index_cast %swap3A_598 : i32 to index
        %swap3A_601 = arith.index_cast %mul3A_205 : i32 to index
        %swap3A_602 = tpu.vector_load %arg6[%swap3A_599, %swap3A_600, %swap3A_601] {strides = array<i32>} : memref<2x32x512xf32, #tpu.memory_space<vmem>>, vector<1x1x16xf32>,
        %swap3A_603 = vector.shape_cast %swap3A_602 : vector<1x1x16xf32> to vector<16xf32>
        %swap3A_604 = vector.shape_cast %mul3A_596 : vector<16xf32> to vector<1x1x16xf32>
        tpu.vector_store %arg6[%swap3A_599, %swap3A_600, %swap3A_601], %swap3A_604 {strides = array<i32>} : memref<2x32x512xf32, #tpu.memory_space<vmem>>, vector<1x1x16xf32>,
        %get3A_605 = arith.constant 1 : i32
        %get3A_606 = arith.constant 25 : i32
        %get3A_607 = arith.index_cast %get3A_605 : i32 to index
        %get3A_608 = arith.index_cast %get3A_606 : i32 to index
        %get3A_609 = arith.index_cast %mul3A_205 : i32 to index
        %get3A_610 = tpu.vector_load %arg5[%get3A_607, %get3A_608, %get3A_609] {strides = array<i32>} : memref<2x32x512xf32, #tpu.memory_space<vmem>>, vector<1x1x16xf32>,
        %get3A_611 = vector.shape_cast %get3A_610 : vector<1x1x16xf32> to vector<16xf32>
        %mul3A_612 = arith.mulf %sub3A_203, %get3A_611 : vector<16xf32>
        %swap3A_613 = arith.constant 1 : i32
        %swap3A_614 = arith.constant 25 : i32
        %swap3A_615 = arith.index_cast %swap3A_613 : i32 to index
        %swap3A_616 = arith.index_cast %swap3A_614 : i32 to index
        %swap3A_617 = arith.index_cast %mul3A_205 : i32 to index
        %swap3A_618 = tpu.vector_load %arg6[%swap3A_615, %swap3A_616, %swap3A_617] {strides = array<i32>} : memref<2x32x512xf32, #tpu.memory_space<vmem>>, vector<1x1x16xf32>,
        %swap3A_619 = vector.shape_cast %swap3A_618 : vector<1x1x16xf32> to vector<16xf32>
        %swap3A_620 = vector.shape_cast %mul3A_612 : vector<16xf32> to vector<1x1x16xf32>
        tpu.vector_store %arg6[%swap3A_615, %swap3A_616, %swap3A_617], %swap3A_620 {strides = array<i32>} : memref<2x32x512xf32, #tpu.memory_space<vmem>>, vector<1x1x16xf32>,
        %get3A_621 = arith.constant 1 : i32
        %get3A_622 = arith.constant 26 : i32
        %get3A_623 = arith.index_cast %get3A_621 : i32 to index
        %get3A_624 = arith.index_cast %get3A_622 : i32 to index
        %get3A_625 = arith.index_cast %mul3A_205 : i32 to index
        %get3A_626 = tpu.vector_load %arg5[%get3A_623, %get3A_624, %get3A_625] {strides = array<i32>} : memref<2x32x512xf32, #tpu.memory_space<vmem>>, vector<1x1x16xf32>,
        %get3A_627 = vector.shape_cast %get3A_626 : vector<1x1x16xf32> to vector<16xf32>
        %mul3A_628 = arith.mulf %sub3A_203, %get3A_627 : vector<16xf32>
        %swap3A_629 = arith.constant 1 : i32
        %swap3A_630 = arith.constant 26 : i32
        %swap3A_631 = arith.index_cast %swap3A_629 : i32 to index
        %swap3A_632 = arith.index_cast %swap3A_630 : i32 to index
        %swap3A_633 = arith.index_cast %mul3A_205 : i32 to index
        %swap3A_634 = tpu.vector_load %arg6[%swap3A_631, %swap3A_632, %swap3A_633] {strides = array<i32>} : memref<2x32x512xf32, #tpu.memory_space<vmem>>, vector<1x1x16xf32>,
        %swap3A_635 = vector.shape_cast %swap3A_634 : vector<1x1x16xf32> to vector<16xf32>
        %swap3A_636 = vector.shape_cast %mul3A_628 : vector<16xf32> to vector<1x1x16xf32>
        tpu.vector_store %arg6[%swap3A_631, %swap3A_632, %swap3A_633], %swap3A_636 {strides = array<i32>} : memref<2x32x512xf32, #tpu.memory_space<vmem>>, vector<1x1x16xf32>,
        %get3A_637 = arith.constant 1 : i32
        %get3A_638 = arith.constant 27 : i32
        %get3A_639 = arith.index_cast %get3A_637 : i32 to index
        %get3A_640 = arith.index_cast %get3A_638 : i32 to index
        %get3A_641 = arith.index_cast %mul3A_205 : i32 to index
        %get3A_642 = tpu.vector_load %arg5[%get3A_639, %get3A_640, %get3A_641] {strides = array<i32>} : memref<2x32x512xf32, #tpu.memory_space<vmem>>, vector<1x1x16xf32>,
        %get3A_643 = vector.shape_cast %get3A_642 : vector<1x1x16xf32> to vector<16xf32>
        %mul3A_644 = arith.mulf %sub3A_203, %get3A_643 : vector<16xf32>
        %swap3A_645 = arith.constant 1 : i32
        %swap3A_646 = arith.constant 27 : i32
        %swap3A_647 = arith.index_cast %swap3A_645 : i32 to index
        %swap3A_648 = arith.index_cast %swap3A_646 : i32 to index
        %swap3A_649 = arith.index_cast %mul3A_205 : i32 to index
        %swap3A_650 = tpu.vector_load %arg6[%swap3A_647, %swap3A_648, %swap3A_649] {strides = array<i32>} : memref<2x32x512xf32, #tpu.memory_space<vmem>>, vector<1x1x16xf32>,
        %swap3A_651 = vector.shape_cast %swap3A_650 : vector<1x1x16xf32> to vector<16xf32>
        %swap3A_652 = vector.shape_cast %mul3A_644 : vector<16xf32> to vector<1x1x16xf32>
        tpu.vector_store %arg6[%swap3A_647, %swap3A_648, %swap3A_649], %swap3A_652 {strides = array<i32>} : memref<2x32x512xf32, #tpu.memory_space<vmem>>, vector<1x1x16xf32>,
        %get3A_653 = arith.constant 1 : i32
        %get3A_654 = arith.constant 28 : i32
        %get3A_655 = arith.index_cast %get3A_653 : i32 to index
        %get3A_656 = arith.index_cast %get3A_654 : i32 to index
        %get3A_657 = arith.index_cast %mul3A_205 : i32 to index
        %get3A_658 = tpu.vector_load %arg5[%get3A_655, %get3A_656, %get3A_657] {strides = array<i32>} : memref<2x32x512xf32, #tpu.memory_space<vmem>>, vector<1x1x16xf32>,
        %get3A_659 = vector.shape_cast %get3A_658 : vector<1x1x16xf32> to vector<16xf32>
        %mul3A_660 = arith.mulf %sub3A_203, %get3A_659 : vector<16xf32>
        %swap3A_661 = arith.constant 1 : i32
        %swap3A_662 = arith.constant 28 : i32
        %swap3A_663 = arith.index_cast %swap3A_661 : i32 to index
        %swap3A_664 = arith.index_cast %swap3A_662 : i32 to index
        %swap3A_665 = arith.index_cast %mul3A_205 : i32 to index
        %swap3A_666 = tpu.vector_load %arg6[%swap3A_663, %swap3A_664, %swap3A_665] {strides = array<i32>} : memref<2x32x512xf32, #tpu.memory_space<vmem>>, vector<1x1x16xf32>,
        %swap3A_667 = vector.shape_cast %swap3A_666 : vector<1x1x16xf32> to vector<16xf32>
        %swap3A_668 = vector.shape_cast %mul3A_660 : vector<16xf32> to vector<1x1x16xf32>
        tpu.vector_store %arg6[%swap3A_663, %swap3A_664, %swap3A_665], %swap3A_668 {strides = array<i32>} : memref<2x32x512xf32, #tpu.memory_space<vmem>>, vector<1x1x16xf32>,
        %get3A_669 = arith.constant 1 : i32
        %get3A_670 = arith.constant 29 : i32
        %get3A_671 = arith.index_cast %get3A_669 : i32 to index
        %get3A_672 = arith.index_cast %get3A_670 : i32 to index
        %get3A_673 = arith.index_cast %mul3A_205 : i32 to index
        %get3A_674 = tpu.vector_load %arg5[%get3A_671, %get3A_672, %get3A_673] {strides = array<i32>} : memref<2x32x512xf32, #tpu.memory_space<vmem>>, vector<1x1x16xf32>,
        %get3A_675 = vector.shape_cast %get3A_674 : vector<1x1x16xf32> to vector<16xf32>
        %mul3A_676 = arith.mulf %sub3A_203, %get3A_675 : vector<16xf32>
        %swap3A_677 = arith.constant 1 : i32
        %swap3A_678 = arith.constant 29 : i32
        %swap3A_679 = arith.index_cast %swap3A_677 : i32 to index
        %swap3A_680 = arith.index_cast %swap3A_678 : i32 to index
        %swap3A_681 = arith.index_cast %mul3A_205 : i32 to index
        %swap3A_682 = tpu.vector_load %arg6[%swap3A_679, %swap3A_680, %swap3A_681] {strides = array<i32>} : memref<2x32x512xf32, #tpu.memory_space<vmem>>, vector<1x1x16xf32>,
        %swap3A_683 = vector.shape_cast %swap3A_682 : vector<1x1x16xf32> to vector<16xf32>
        %swap3A_684 = vector.shape_cast %mul3A_676 : vector<16xf32> to vector<1x1x16xf32>
        tpu.vector_store %arg6[%swap3A_679, %swap3A_680, %swap3A_681], %swap3A_684 {strides = array<i32>} : memref<2x32x512xf32, #tpu.memory_space<vmem>>, vector<1x1x16xf32>,
        %get3A_685 = arith.constant 1 : i32
        %get3A_686 = arith.constant 30 : i32
        %get3A_687 = arith.index_cast %get3A_685 : i32 to index
        %get3A_688 = arith.index_cast %get3A_686 : i32 to index
        %get3A_689 = arith.index_cast %mul3A_205 : i32 to index
        %get3A_690 = tpu.vector_load %arg5[%get3A_687, %get3A_688, %get3A_689] {strides = array<i32>} : memref<2x32x512xf32, #tpu.memory_space<vmem>>, vector<1x1x16xf32>,
        %get3A_691 = vector.shape_cast %get3A_690 : vector<1x1x16xf32> to vector<16xf32>
        %mul3A_692 = arith.mulf %sub3A_203, %get3A_691 : vector<16xf32>
        %swap3A_693 = arith.constant 1 : i32
        %swap3A_694 = arith.constant 30 : i32
        %swap3A_695 = arith.index_cast %swap3A_693 : i32 to index
        %swap3A_696 = arith.index_cast %swap3A_694 : i32 to index
        %swap3A_697 = arith.index_cast %mul3A_205 : i32 to index
        %swap3A_698 = tpu.vector_load %arg6[%swap3A_695, %swap3A_696, %swap3A_697] {strides = array<i32>} : memref<2x32x512xf32, #tpu.memory_space<vmem>>, vector<1x1x16xf32>,
        %swap3A_699 = vector.shape_cast %swap3A_698 : vector<1x1x16xf32> to vector<16xf32>
        %swap3A_700 = vector.shape_cast %mul3A_692 : vector<16xf32> to vector<1x1x16xf32>
        tpu.vector_store %arg6[%swap3A_695, %swap3A_696, %swap3A_697], %swap3A_700 {strides = array<i32>} : memref<2x32x512xf32, #tpu.memory_space<vmem>>, vector<1x1x16xf32>,
        %get3A_701 = arith.constant 1 : i32
        %get3A_702 = arith.constant 31 : i32
        %get3A_703 = arith.index_cast %get3A_701 : i32 to index
        %get3A_704 = arith.index_cast %get3A_702 : i32 to index
        %get3A_705 = arith.index_cast %mul3A_205 : i32 to index
        %get3A_706 = tpu.vector_load %arg5[%get3A_703, %get3A_704, %get3A_705] {strides = array<i32>} : memref<2x32x512xf32, #tpu.memory_space<vmem>>, vector<1x1x16xf32>,
        %get3A_707 = vector.shape_cast %get3A_706 : vector<1x1x16xf32> to vector<16xf32>
        %mul3A_708 = arith.mulf %sub3A_203, %get3A_707 : vector<16xf32>
        %swap3A_709 = arith.constant 1 : i32
        %swap3A_710 = arith.constant 31 : i32
        %swap3A_711 = arith.index_cast %swap3A_709 : i32 to index
        %swap3A_712 = arith.index_cast %swap3A_710 : i32 to index
        %swap3A_713 = arith.index_cast %mul3A_205 : i32 to index
        %swap3A_714 = tpu.vector_load %arg6[%swap3A_711, %swap3A_712, %swap3A_713] {strides = array<i32>} : memref<2x32x512xf32, #tpu.memory_space<vmem>>, vector<1x1x16xf32>,
        %swap3A_715 = vector.shape_cast %swap3A_714 : vector<1x1x16xf32> to vector<16xf32>
        %swap3A_716 = vector.shape_cast %mul3A_708 : vector<16xf32> to vector<1x1x16xf32>
        tpu.vector_store %arg6[%swap3A_711, %swap3A_712, %swap3A_713], %swap3A_716 {strides = array<i32>} : memref<2x32x512xf32, #tpu.memory_space<vmem>>, vector<1x1x16xf32>,
      }
      %scan3A_167 = arith.constant 32 : i32
      %add3A_168 = arith.addi %mul3A_2, %add3A_140 : i32
      %mul3A_169 = arith.constant 512 : i32
      %mul3A_170 = arith.muli %add3A_168, %mul3A_169 : i32
      %dma_start3A_171 = arith.constant 1 : i32
      %dma_start3A_172 = arith.constant 0 : i32
      %dma_start3A_173 = arith.constant 0 : i32
      %dma_start3A_174 = tpu.memref_slice %arg6[%dma_start3A_171, %dma_start3A_172, %dma_start3A_173] : memref<2x32x512xf32, #tpu.memory_space<vmem>> -> memref<1x32x512xf32, #tpu.memory_space<vmem>>
      %dma_start3A_175 = tpu.memref_squeeze %dma_start3A_174 : memref<1x32x512xf32, #tpu.memory_space<vmem>> -> memref<32x512xf32, #tpu.memory_space<vmem>>
      %dma_start3A_176 = arith.constant 0 : i32
      %dma_start3A_177 = tpu.memref_slice %arg4[%dma_start3A_176, %mul3A_170] : memref<32x1000000xf32, #tpu.memory_space<hbm>> -> memref<32x512xf32, #tpu.memory_space<hbm>>
      %dma_start3A_178 = arith.constant 0 : i32
      %dma_start3A_179 = tpu.memref_slice %arg4[%dma_start3A_178, %mul3A_170] : memref<32x1000000xf32, #tpu.memory_space<hbm>> -> memref<32x512xf32, #tpu.memory_space<hbm>>
      %dma_start3A_180 = arith.constant 0 : i32
      %dma_start3A_181 = arith.constant 0 : i32
      %dma_start3A_182 = tpu.memref_slice %arg6[%dma_start3A_171, %dma_start3A_180, %dma_start3A_181] : memref<2x32x512xf32, #tpu.memory_space<vmem>> -> memref<1x32x512xf32, #tpu.memory_space<vmem>>
      %dma_start3A_183 = tpu.memref_squeeze %dma_start3A_182 : memref<1x32x512xf32, #tpu.memory_space<vmem>> -> memref<32x512xf32, #tpu.memory_space<vmem>>
      tpu.enqueue_dma source(%dma_start3A_183 : memref<32x512xf32, #tpu.memory_space<vmem>>) target(%dma_start3A_179 : memref<32x512xf32, #tpu.memory_space<hbm>>) target_semaphore(%arg11 : memref<!tpu.dma_semaphore, #tpu.memory_space<semaphore_mem>>)
      %add3A_184 = arith.constant 2 : i32
      %add3A_185 = arith.addi %add3A_140, %add3A_184 : i32
      %lt3A_186 = arith.constant 50 : i32
      %lt3A_187 = arith.cmpi slt, %add3A_185, %lt3A_186 : i32
      %convert_element_type3A_188 = arith.extui %lt3A_187 : i1 to i32
      %cond3A_189 = arith.constant 0 : i32
      %cond3A_190 = arith.cmpi ne, %convert_element_type3A_188, %cond3A_189 : i32
      scf.if %cond3A_190 {
        %add3A_191 = arith.constant 2 : i32
        %add3A_192 = arith.addi %add3A_140, %add3A_191 : i32
        %add3A_193 = arith.addi %mul3A_2, %add3A_192 : i32
        %mul3A_194 = arith.constant 512 : i32
        %mul3A_195 = arith.muli %add3A_193, %mul3A_194 : i32
        %dma_start3A_196 = arith.constant 1 : i32
        %dma_start3A_197 = arith.constant 0 : i32
        %dma_start3A_198 = arith.constant 0 : i32
        %dma_start3A_199 = tpu.memref_slice %arg5[%dma_start3A_196, %dma_start3A_197, %dma_start3A_198] : memref<2x32x512xf32, #tpu.memory_space<vmem>> -> memref<1x32x512xf32, #tpu.memory_space<vmem>>
        %dma_start3A_200 = tpu.memref_squeeze %dma_start3A_199 : memref<1x32x512xf32, #tpu.memory_space<vmem>> -> memref<32x512xf32, #tpu.memory_space<vmem>>
        %dma_start3A_201 = arith.constant 0 : i32
        %dma_start3A_202 = tpu.memref_slice %arg2[%dma_start3A_201, %mul3A_195] : memref<32x1000000xf32, #tpu.memory_space<hbm>> -> memref<32x512xf32, #tpu.memory_space<hbm>>
        %dma_start3A_203 = arith.constant 0 : i32
        %dma_start3A_204 = arith.constant 0 : i32
        %dma_start3A_205 = tpu.memref_slice %arg5[%dma_start3A_196, %dma_start3A_203, %dma_start3A_204] : memref<2x32x512xf32, #tpu.memory_space<vmem>> -> memref<1x32x512xf32, #tpu.memory_space<vmem>>
        %dma_start3A_206 = tpu.memref_squeeze %dma_start3A_205 : memref<1x32x512xf32, #tpu.memory_space<vmem>> -> memref<32x512xf32, #tpu.memory_space<vmem>>
        %dma_start3A_207 = arith.constant 0 : i32
        %dma_start3A_208 = tpu.memref_slice %arg2[%dma_start3A_207, %mul3A_195] : memref<32x1000000xf32, #tpu.memory_space<hbm>> -> memref<32x512xf32, #tpu.memory_space<hbm>>
        tpu.enqueue_dma source(%dma_start3A_208 : memref<32x512xf32, #tpu.memory_space<hbm>>) target(%dma_start3A_206 : memref<32x512xf32, #tpu.memory_space<vmem>>) target_semaphore(%arg9 : memref<!tpu.dma_semaphore, #tpu.memory_space<semaphore_mem>>)
      } else {
      }
    }
    %scan3A_51 = arith.constant 25 : i32
    %add3A_52 = arith.constant 48 : i32
    %add3A_53 = arith.addi %mul3A_2, %add3A_52 : i32
    %mul3A_54 = arith.constant 512 : i32
    %mul3A_55 = arith.muli %add3A_53, %mul3A_54 : i32
    %dma_wait3A_56 = arith.constant 0 : i32
    %dma_wait3A_57 = arith.constant 0 : i32
    %dma_wait3A_58 = arith.constant 0 : i32
    %dma_wait3A_59 = tpu.memref_slice %arg6[%dma_wait3A_56, %dma_wait3A_57, %dma_wait3A_58] : memref<2x32x512xf32, #tpu.memory_space<vmem>> -> memref<1x32x512xf32, #tpu.memory_space<vmem>>
    %dma_wait3A_60 = tpu.memref_squeeze %dma_wait3A_59 : memref<1x32x512xf32, #tpu.memory_space<vmem>> -> memref<32x512xf32, #tpu.memory_space<vmem>>
    %dma_wait3A_61 = arith.constant 0 : i32
    %dma_wait3A_62 = tpu.memref_slice %arg4[%dma_wait3A_61, %mul3A_55] : memref<32x1000000xf32, #tpu.memory_space<hbm>> -> memref<32x512xf32, #tpu.memory_space<hbm>>
    %dma_wait3A_63 = arith.constant 0 : i32
    %dma_wait3A_64 = tpu.memref_slice %arg4[%dma_wait3A_63, %mul3A_55] : memref<32x1000000xf32, #tpu.memory_space<hbm>> -> memref<32x512xf32, #tpu.memory_space<hbm>>
    %dma_wait3A_65 = arith.constant 0 : i32
    %dma_wait3A_66 = arith.constant 0 : i32
    %dma_wait3A_67 = tpu.memref_slice %arg6[%dma_wait3A_56, %dma_wait3A_65, %dma_wait3A_66] : memref<2x32x512xf32, #tpu.memory_space<vmem>> -> memref<1x32x512xf32, #tpu.memory_space<vmem>>
    %dma_wait3A_68 = tpu.memref_squeeze %dma_wait3A_67 : memref<1x32x512xf32, #tpu.memory_space<vmem>> -> memref<32x512xf32, #tpu.memory_space<vmem>>
    tpu.wait_dma2 semaphore(%arg10 : memref<!tpu.dma_semaphore, #tpu.memory_space<semaphore_mem>>) src(%dma_wait3A_68 : memref<32x512xf32, #tpu.memory_space<vmem>>) dst(%dma_wait3A_64 : memref<32x512xf32, #tpu.memory_space<hbm>>)
    %add3A_69 = arith.constant 49 : i32
    %add3A_70 = arith.addi %mul3A_2, %add3A_69 : i32
    %mul3A_71 = arith.constant 512 : i32
    %mul3A_72 = arith.muli %add3A_70, %mul3A_71 : i32
    %dma_wait3A_73 = arith.constant 1 : i32
    %dma_wait3A_74 = arith.constant 0 : i32
    %dma_wait3A_75 = arith.constant 0 : i32
    %dma_wait3A_76 = tpu.memref_slice %arg6[%dma_wait3A_73, %dma_wait3A_74, %dma_wait3A_75] : memref<2x32x512xf32, #tpu.memory_space<vmem>> -> memref<1x32x512xf32, #tpu.memory_space<vmem>>
    %dma_wait3A_77 = tpu.memref_squeeze %dma_wait3A_76 : memref<1x32x512xf32, #tpu.memory_space<vmem>> -> memref<32x512xf32, #tpu.memory_space<vmem>>
    %dma_wait3A_78 = arith.constant 0 : i32
    %dma_wait3A_79 = tpu.memref_slice %arg4[%dma_wait3A_78, %mul3A_72] : memref<32x1000000xf32, #tpu.memory_space<hbm>> -> memref<32x512xf32, #tpu.memory_space<hbm>>
    %dma_wait3A_80 = arith.constant 0 : i32
    %dma_wait3A_81 = tpu.memref_slice %arg4[%dma_wait3A_80, %mul3A_72] : memref<32x1000000xf32, #tpu.memory_space<hbm>> -> memref<32x512xf32, #tpu.memory_space<hbm>>
    %dma_wait3A_82 = arith.constant 0 : i32
    %dma_wait3A_83 = arith.constant 0 : i32
    %dma_wait3A_84 = tpu.memref_slice %arg6[%dma_wait3A_73, %dma_wait3A_82, %dma_wait3A_83] : memref<2x32x512xf32, #tpu.memory_space<vmem>> -> memref<1x32x512xf32, #tpu.memory_space<vmem>>
    %dma_wait3A_85 = tpu.memref_squeeze %dma_wait3A_84 : memref<1x32x512xf32, #tpu.memory_space<vmem>> -> memref<32x512xf32, #tpu.memory_space<vmem>>
    tpu.wait_dma2 semaphore(%arg11 : memref<!tpu.dma_semaphore, #tpu.memory_space<semaphore_mem>>) src(%dma_wait3A_85 : memref<32x512xf32, #tpu.memory_space<vmem>>) dst(%dma_wait3A_81 : memref<32x512xf32, #tpu.memory_space<hbm>>)
    return
  }
}

</mosaic_0001>

<sc_bundles>
// kernel: kernel.3.cloned.1.call-start
scs
__scs_entry_jumppad:
0x0: {  	(pc) =	sbr.rel $0x88, $3  }
0x1: {  	(tag) =	ssettag $0x0;
	lr =	simm.s32 $0x1  }
0x2: {  	[smem:$0x3F9F] =	sst lr;
	_ =	strace $0xD0000000  }
0x3: {  	_ = 	snop  }
0x4: {  	_ = 	snop  }
0x5: {  	_ = 	snop  }
0x6: {  	_ = 	snop  }
0x7: {  	_ = 	snop  }
__scs_overlays_trampoline_lowered:
0x8: {  	[smem:$0x3FAE] =	sst s0  }
0x9: {  	[smem:$0x3FAF] =	sst s1  }
0xa: {  	[smem:$0x3FB0] =	sst s2  }
0xb: {  	[smem:$0x3FB1] =	sst s3  }
0xc: {  	[smem:$0x3FB2] =	sst s4  }
0xd: {  	[smem:$0x3FB3] =	sst s5  }
0xe: {  	[smem:$0x3FB4] =	sst s6  }
0xf: {  	[smem:$0x3FB5] =	sst s7  }
0x10: {  	[smem:$0x3FB6] =	sst s8  }
0x11: {  	[smem:$0x3FB7] =	sst s9;
	s0 =	simm.s32 @!p0 $0x0  }
0x12: {  	s1 =	sld [smem:$0x3F9D];
	s0 =	simm.s32 @p0 $0x1  }
0x13: {  	[smem:$0x3FB8] =	sst s0;
	s0 =	simm.s32 @!p1 $0x0  }
0x14: {  	s2 =	sld [smem:$0x3F9C];
	s0 =	simm.s32 @p1 $0x1  }
0x15: {  	[smem:$0x3FB9] =	sst s0;
	s0 =	simm.s32 @!p2 $0x0  }
0x16: {  	s3 =	sld [smem:$0x3FDB];
	s0 =	simm.s32 @p2 $0x1  }
0x17: {  	s4 =	simm.s32 $0x1BF5;
	[smem:$0x3FBB] =	sst s0  }
0x18: {  	s0 =	sld [smem:$0x3F9E];
	_ =	swait.ge [sflag:s4], $0x0  }
0x19: {  	s7 =	sld [smem:$0x3F9F]  }
0x1a: {  	s8 =	sadd.s32 $0xFFFFE003, lr  }
0x1b: {  	s9 =	sadd.s32 $0xFFFFFEF7, lr;
	s5 =	simm.s32 $0xFFFFFFFF;
	p2 =	slt.u32 s8, $0xFFFFF086  }
0x1c: {  	p1 =	slt.u32 s9, $0xF7A;
	s5 =	simm.s32 @!p2 $0x0  }
0x1d: {  	s5 =	simm.s32 @p1 $0x1;
	p0 =	seq.s32 s7, s2  }
0x1e: {  	s7 =	smul.u32 @!p0 $0xF7A, s2;
	p2 =	seq.s32 @!p0 s5, $0x0  }
0x1f: {  	s9 =	smul.u32 $0xF7A, s1;
	s8 =	simm.s32 @!p0 $0x1BF5;
	p2 =	por !p2, p0  }
0x20: {  	[sflag:s8] =	ssyncset.s32 @!p0 $0xFFFFF086;
	s6 =	sadd.s32 @!p0 s3, s7;
	s7 =	simm.s32 @!p0 $0x108  }
0x21: {  	s3 =	sadd.s32 s3, s9;
	s6 =	sadd.s32 @!p0 $0x88, s6;
	s7 =	simm.s32 @p2 $0x1082  }
0x22: {  	[simem:s7], [sflag:s8] =	dma.local @!p0 [hbm:s6], $0xF7A  }
0x23: {  	s9 =	sor.u32 $0xD0000000, s2;
	s6 =	simm.s32 $0x108;
	_ =	swait.ge @!p0 [sflag:s8], $0x0  }
0x24: {  	s3 =	sadd.s32 $0x88, s3;
	s6 =	simm.s32 @!p1 $0x1082;
	[sflag:s4] =	ssyncset.s32 $0xFFFFF086  }
0x25: {  	[simem:s6], [sflag:s4] =	dma.local [hbm:s3], $0xF7A  }
0x26: {  	[smem:$0x3F9F] =	sst s1;
	(tag) =	ssettag s2;
	_ =	strace s9  }
0x27: {  	s1 =	sld [smem:$0x3FAF]  }
0x28: {  	s2 =	sld [smem:$0x3FB0]  }
0x29: {  	s4 =	sld [smem:$0x3FB2]  }
0x2a: {  	p0 =	seq.s32 s5, $0x0;
	s5 =	sld [smem:$0x3FB3]  }
0x2b: {  	s6 =	sld [smem:$0x3FB4]  }
0x2c: {  	s7 =	sld [smem:$0x3FB5]  }
0x2d: {  	s3 =	simm.s32 $0x108;
	s8 =	sld [smem:$0x3FB6]  }
0x2e: {  	s3 =	simm.s32 @!p0 $0x1082;
	s9 =	sld [smem:$0x3FB7]  }
0x2f: {  	lr =	sadd.s32 s0, s3;
	s0 =	sld [smem:$0x3FAE]  }
0x30: {  	s3 =	sld [smem:$0x3FB1]  }
0x31: {  	[smem:$0x3FBA] =	sst s10  }
0x32: {  	s10 =	sld [smem:$0x3FB8];
	_ =	sdelay $0x3  }
0x33: {  	p0 =	seq.s32 s10, $0x1;
	s10 =	sld [smem:$0x3FBA];
	_ =	sdelay $0x3  }
0x34: {  	[smem:$0x3FBA] =	sst s10  }
0x35: {  	s10 =	sld [smem:$0x3FB9];
	_ =	sdelay $0x3  }
0x36: {  	p1 =	seq.s32 s10, $0x1;
	s10 =	sld [smem:$0x3FBA];
	_ =	sdelay $0x3  }
0x37: {  	[smem:$0x3FBA] =	sst s10  }
0x38: {  	s10 =	sld [smem:$0x3FBB]  }
0x39: {  	_ = 	snop;
	(pc) =	sbr.ind lr, $3  }
0x3a: {  	_ = 	snop  }
0x3b: {  	_ = 	snop  }
0x3c: {  	p2 =	seq.s32 s10, $0x1;
	s10 =	sld [smem:$0x3FBA]  }
0x3d: {  	_ =	shalt  }
0x3e: {  	_ =	shalt  }
0x3f: {  	_ =	shalt  }
0x40: {  	_ =	shalt  }
0x41: {  	_ =	shalt  }
0x42: {  	_ =	shalt  }
0x43: {  	_ =	shalt  }
0x44: {  	_ =	shalt  }
0x45: {  	_ =	shalt  }
0x46: {  	_ =	shalt  }
0x47: {  	_ =	shalt  }
0x48: {  	_ =	shalt  }
0x49: {  	_ =	shalt  }
0x4a: {  	_ =	shalt  }
0x4b: {  	_ =	shalt  }
0x4c: {  	_ =	shalt  }
0x4d: {  	_ =	shalt  }
0x4e: {  	_ =	shalt  }
0x4f: {  	_ =	shalt  }
0x50: {  	_ =	shalt  }
0x51: {  	_ =	shalt  }
0x52: {  	_ =	shalt  }
0x53: {  	_ =	shalt  }
0x54: {  	_ =	shalt  }
0x55: {  	_ =	shalt  }
0x56: {  	_ =	shalt  }
0x57: {  	_ =	shalt  }
0x58: {  	_ =	shalt  }
0x59: {  	_ =	shalt  }
0x5a: {  	_ =	shalt  }
0x5b: {  	_ =	shalt  }
0x5c: {  	_ =	shalt  }
0x5d: {  	_ =	shalt  }
0x5e: {  	_ =	shalt  }
0x5f: {  	_ =	shalt  }
0x60: {  	_ =	shalt  }
0x61: {  	_ =	shalt  }
0x62: {  	_ =	shalt  }
0x63: {  	_ =	shalt  }
0x64: {  	_ =	shalt  }
0x65: {  	_ =	shalt  }
0x66: {  	_ =	shalt  }
0x67: {  	_ =	shalt  }
0x68: {  	_ =	shalt  }
0x69: {  	_ =	shalt  }
0x6a: {  	_ =	shalt  }
0x6b: {  	_ =	shalt  }
0x6c: {  	_ =	shalt  }
0x6d: {  	_ =	shalt  }
0x6e: {  	_ =	shalt  }
0x6f: {  	_ =	shalt  }
0x70: {  	_ =	shalt  }
0x71: {  	_ =	shalt  }
0x72: {  	_ =	shalt  }
0x73: {  	_ =	shalt  }
0x74: {  	_ =	shalt  }
0x75: {  	_ =	shalt  }
0x76: {  	_ =	shalt  }
0x77: {  	_ =	shalt  }
0x78: {  	_ =	shalt  }
0x79: {  	_ =	shalt  }
0x7a: {  	_ =	shalt  }
0x7b: {  	_ =	shalt  }
0x7c: {  	_ =	shalt  }
0x7d: {  	_ =	shalt  }
0x7e: {  	_ =	shalt  }
0x7f: {  	_ =	shalt  }
0x80: {  	_ =	shalt  }
0x81: {  	_ =	shalt  }
0x82: {  	_ =	shalt  }
0x83: {  	_ =	shalt  }
0x84: {  	_ =	shalt  }
0x85: {  	_ =	shalt  }
0x86: {  	_ =	shalt  }
0x87: {  	_ =	shalt  }
.Lfunc_end0:
.L_simem_size_0:
called_computation_lowered:
.L_overlay_start_0:
0x88: {  	s2 =	sld [smem:$0x3FD9]  }
0x89: {  	s3 =	sld [smem:$0x3FFE];
	_ =	sdelay $0x1  }
0x8a: {  	s1 =	srdreg.scid  }
0x8b: {  	s0 =	sand.u32 $0x1, s1  }
0x8c: {  	s17 =	sshll.u32 s0, $0xA;
	s2 =	sadd.s32 s3, s2  }
0x8d: {  	s2 =	sadd.s32 s2, s17  }
0x8e: {  	[smem:$0x3FC6] =	sst s2  }
0x8f: {  	_ = 	snop  }
0x90: {  	s2 =	sld [smem:$0x3FC9]  }
0x91: {  	s18 =	sld [smem:$0x3FD0];
	(tm) =	ssettm $0x1  }
0x92: {  	s4 =	sld [smem:$0x3FFB];
	_ =	sdelay $0x3  }
0x93: {  	_ =	strace s4  }
0x94: {  	s4 =	sld [smem:$0x3FFC];
	_ =	sdelay $0x3  }
0x95: {  	_ =	strace s4  }
0x96: {  	s4 =	sld [smem:$0x3FFD];
	_ =	sdelay $0x3  }
0x97: {  	_ =	strace s4  }
0x98: {  	_ =	strace $0x8FFFFFFF  }
0x99: {  	s19 =	sld [smem:$0x3FDB];
	_ =	sdelay $0x1  }
0x9a: {  	s5 =	simm.s32 $_scs_section_size  }
0x9b: {  	s6 =	simm.s32 $_size__tile_overlayer_lowered;
	s7 =	simm.s32 $_tile_overlayer_lowered  }
0x9c: {  	s22 =	simm.s32 $0x1BFF;
	s21 =	sshll.u32 s7, $0x1;
	s4 =	sadd.s32 s5, s19  }
0x9d: {  	s8 =	simm.s32 $0x0;
	s20 =	sshll.u32 s6, $0x1;
	s6 =	sadd.s32 s21, s4  }
0x9e: {  	[timem:s8], [sflag:s22] =	dma.local [hbm:s6], s20  }
0x9f: {  	_ =	swait.ge [sflag:s22], s20  }
0xa0: {  	s5 =	ssub.s32 $0x0, s20;
	[sflag:s22] =	ssyncset.done $0x0  }
0xa1: {  	[sflag:s22] =	ssyncadd.s32 s5;
	_ =	sdelay $0x1  }
0xa2: {  	s23 =	simm.s32 $0x1B8B  }
0xa3: {  	_ =	swait.ge [sflag:s23], $0x1  }
0xa4: {  	[sflag:s23] =	ssyncset.done $0x0  }
0xa5: {  	s25 =	simm.s32 $0x1B8E;
	s24 =	sld [smem:$0x3FFE];
	[sflag:s23] =	ssyncadd.s32 $0xFFFFFFFF  }
0xa6: {  	s26 =	simm.s32 $execute0_lowered;
	[smem:$0x3FD2] =	sst s25  }
0xa7: {  	s6 =	sshll.u32 s26, $0x1;
	_ =	strace $0x80000046;
	[dreg:$0x1] =	wrdreg $0xFFFFFFFF  }
0xa8: {  	s28 =	simm.s32 $_size_execute0_lowered;
	s4 =	sadd.s32 s4, s6;
	[dreg:$0x0] =	wrdreg $0x0  }
0xa9: {  	s6 =	sshll.u32 s28, $0x1;
	[dreg:$0x2] =	wrdreg s4  }
0xaa: {  	[dreg:$0x3] =	wrdreg s6  }
0xab: {  	[dreg:$0x4] =	wrdreg $0xC0  }
0xac: {  	_ =	task [dreg:s8], $0x5FFFF  }
0xad: {  	[dreg:$0x1] =	wrdreg $0xFFFFFFFF  }
0xae: {  	[dreg:$0x0] =	wrdreg $0x60  }
0xaf: {  	[dreg:$0x2] =	wrdreg s2  }
0xb0: {  	[dreg:$0x3] =	wrdreg s24  }
0xb1: {  	[dreg:$0x4] =	wrdreg s18  }
0xb2: {  	[dreg:$0x5] =	wrdreg $0x9  }
0xb3: {  	_ =	task.clear_ibuf [dreg:s8], $0x6FFFF;
	_ =	strace $0x90000046  }
0xb4: {  	s29 =	simm.s32 $0x9;
	_ =	strace $0x80000048  }
0xb5: {  	_ =	swait.ge [sflag:s29], $0x1  }
0xb6: {  	[sflag:s29] =	ssyncadd.s32 $0xFFFFFFFF  }
0xb7: {  	_ =	strace $0x90000048  }
0xb8: {  	_ =	sfence  }
0xb9: {  	s30 =	sld [smem:$0x0];
	_ =	sdelay $0x2  }
0xba: {  	s31 =	sshll.u32 s1, $0xD;
	s1 =	sshrl.u32 s1, $0x2  }
0xbb: {  	s3 =	sand.u32 $0x4000, s31;
	s1 =	sadd.s32 s1, s30  }
0xbc: {  	s0 =	sor.u32 s3, s0;
	s1 =	sshll.u32 s1, $0x11  }
0xbd: {  	s0 =	sor.u32 s1, s0  }
0xbe: {  	s0 =	sadd.s32 $0x8F2B, s0  }
0xbf: {  	[sflag:s0] =	ssyncadd.remote.s32 $0x1  }
0xc0: {  	_ =	sfence.sel $0xFFFF  }
0xc1: {  	[dreg:$0x0] =	wrdreg $0xFFFFFFFF;
	(pc) =	sbr.abs _section_cstart, $3  }
0xc2: {  	[dreg:$0x1] =	wrdreg $0xFFFFFFFF  }
0xc3: {  	_ =	task.clear_ibuf [dreg:s8], $0x2FFFF;
	_ =	strace $0x9FFFFFFF  }
0xc4: {  	(tm) =	ssettm $0x7FFFFFFF  }
0xc5: {  	_ =	shalt  }
tec
execute0_lowered:
.L_overlay_start_1:
0x0: {  	(tag) =	ssettag $0x1  }
0x1: {  	s1 =	rddreg [dreg:$0x0]  }
0x2: {  	s0 =	rddreg [dreg:$0x1];
	s2 =	srdreg.scid  }
0x3: {  	s4 =	stileid.u32;
	s3 =	rddreg [dreg:$0x2];
	s5 =	simm.s32 $0x0  }
0x4: {  	s13 =	simm.s32 $0x1000;
	s14 =	simm.s32 $0x7A1400;
	s15 =	simm.s32 $0x4000  }
0x5: {  	s16 =	simm.s32 $0x5;
	s17 =	simm.s32 $0x1;
	s18 =	simm.s32 $0x8000  }
0x6: {  	s19 =	simm.s32 $0x2;
	s2 =	sand.u32 $0x1, s2;
	s4 =	sshll.u32 s4, $0x1  }
0x7: {  	s20 =	simm.s32 $0xC000;
	s21 =	simm.s32 $0x3;
	s4 =	sor.u32 s2, s4  }
0x8: {  	s22 =	simm.s32 $0x4;
	[smem:$0x7FF] =	sst s5;
	s7 =	smul.u32 $0xC80, s4  }
0x9: {  	_ =	strace $0x80000047;
	s2 =	ssub.s32 $0x2, s2;
	s6 =	smul.u32 $0x6400, s4  }
.Ltmp0:
0xa: {  	s8 =	sshrl.u32 s2, $0x1;
	s0 =	sadd.s32 s0, s7;
	(pc) =	sbr.rel .LBB2_1-.Ltmp0, $4  }
0xb: {  	s2 =	ssub.s32 s2, s8;
	s29 =	sadd.s32 s1, s6;
	[dreg:$0x5] =	wrdreg s0  }
0xc: {  	s5 =	smul.u32 $0x32, s4;
	s31 =	smax.u32 s2, $0x1;
	[dreg:$0x4] =	wrdreg s29  }
0xd: {  	s23 =	simm.s32 $0x0;
	s30 =	sadd.s32 $0x200, s29;
	[dreg:$0x7] =	wrdreg s31  }
0xe: {  	s9 =	sadd.s32 $0x2, s5;
	s10 =	sadd.s32 $0x3, s5;
	[dreg:$0x6] =	wrdreg s30  }
.LBB2_10:
0xf: {  	_ =	swait.ge [sflag:s21], $0x4000  }
0x10: {  	[sflag:s21] =	ssyncset.done $0x0  }
0x11: {  	[sflag:s21] =	ssyncadd.s32 $0xFFFFC000  }
0x12: {  	_ =	swait.ge [sflag:s22], $0x4000  }
0x13: {  	s23 =	sadd.s32 $0x1, s23;
	s0 =	rddreg [dreg:$0x7]  }
0x14: {  	p0 =	sne.s32 s23, s0  }
.Ltmp1:
0x15: {  	_ = 	snop;
	(pc) =	sbr.rel @!p0 .LBB2_11-.Ltmp1, $3  }
0x16: {  	_ =	sdelay $0x1  }
0x17: {  	[sflag:s22] =	ssyncset.done $0x0  }
0x18: {  	[sflag:s22] =	ssyncadd.s32 $0xFFFFC000  }
.LBB2_1:
0x19: {  	s0 =	simm.s32 $0x0;
	s2 =	rddreg [dreg:$0x5];
	s4 =	simm.s32 $0x10000  }
0x1a: {  	[tilespmem:s4], [sflag:$0x5] =	stream.linear.gather [hbm4b:s2+s0], $0x6400, $0x38;
	[tilespmem:$0x16400] =	vst v63  }
0x1b: {  	s30 =	rddreg [dreg:$0x4]  }
0x1c: {  	[tilespmem:s0], [sflag:$0x1] =	stream.strided.gather [hbm4b:s30+s13], $0x4000, s14, s13, $0x38;
	[tilespmem:$0x16400] =	vst v63  }
0x1d: {  	s31 =	rddreg [dreg:$0x6]  }
0x1e: {  	[tilespmem:s15], [sflag:$0x2] =	stream.strided.gather [hbm4b:s31+s13], $0x4000, s14, s13, $0x38;
	[tilespmem:$0x16400] =	vst v63  }
0x1f: {  	_ =	swait.ge [sflag:s16], $0x6400  }
0x20: {  	[sflag:s16] =	ssyncset.done $0x0  }
0x21: {  	s24 =	simm.s32 $0x0;
	[sflag:s16] =	ssyncadd.s32 $0xFFFF9C00  }
.LBB2_2:
0x22: {  	p0 =	seq.s32 s24, $0x0  }
0x23: {  	s0 =	simm.s32 @!p0 $0x3  }
0x24: {  	_ =	swait.ge @!p0 [sflag:s0], $0x4000  }
0x25: {  	s2 =	sshll.u32 s24, $0xA;
	[sflag:s0] =	ssyncset.done @!p0 $0x0  }
0x26: {  	s25 =	simm.s32 $0x0;
	s12 =	sand.u32 $0x3FFFFC00, s2;
	[sflag:s0] =	ssyncadd.s32 @!p0 $0xFFFFC000  }
0x27: {  	s6 =	sand.u32 $0x180, s25;
	s28 =	sadd.s32 $0x10000, s12;
	_ =	swait.ge [sflag:s17], $0x4000  }
0x28: {  	s4 =	sand.u32 $0x70, s25;
	s0 =	sadd.s32 s6, s28;
	[sflag:s17] =	ssyncset.done $0x0  }
0x29: {  	s29 =	simm.s32 $0x0;
	s0 =	sadd.s32 s4, s0;
	[sflag:s17] =	ssyncadd.s32 $0xFFFFC000  }
0x2a: {  	s12 =	sand.u32 $0xC00, s29;
	v0 =	vld [tilespmem:s0+$0x0]  }
0x2b: {  	s26 =	sor.u32 s4, s12  }
0x2c: {  	v1 =	vld [tilespmem:s26+$0x0]  }
0x2d: {  	v2 =	vld [tilespmem:s26+$0x100]  }
0x2e: {  	v3 =	vld [tilespmem:s26+$0x80]  }
0x2f: {  	v0 =	vsub.f32 $0.0e+00, v0;
	_ =	sdelay $0x1  }
0x30: {  	v1 =	vmul.f32 v1, v0  }
0x31: {  	v2 =	vmul.f32 v2, v0  }
0x32: {  	s7 =	sand.u32 $0xFFFFFC00, s29;
	v3 =	vmul.f32 v3, v0;
	[tilespmem:s26+$0x8000] =	vst v1  }
0x33: {  	s31 =	sadd.s32 $0x0, s7;
	[tilespmem:s26+$0x8100] =	vst v2  }
0x34: {  	s0 =	sor.u32 $0x180, s31;
	[tilespmem:s26+$0x8080] =	vst v3  }
0x35: {  	v1 =	vld [tilespmem:s0+$0x0];
	_ =	sdelay $0x4  }
0x36: {  	v1 =	vmul.f32 v1, v0;
	_ =	sdelay $0x1  }
0x37: {  	[tilespmem:s0+$0x8000] =	vst v1  }
0x38: {  	v1 =	vld [tilespmem:s26+$0x200]  }
0x39: {  	v2 =	vld [tilespmem:s26+$0x280]  }
0x3a: {  	v3 =	vld [tilespmem:s26+$0x300];
	_ =	sdelay $0x2  }
0x3b: {  	v1 =	vmul.f32 v1, v0  }
0x3c: {  	v2 =	vmul.f32 v2, v0  }
0x3d: {  	[tilespmem:s26+$0x8200] =	vst v1;
	v1 =	vmul.f32 v3, v0  }
0x3e: {  	s30 =	sor.u32 s25, s29;
	[tilespmem:s26+$0x8280] =	vst v2  }
0x3f: {  	s8 =	sor.u32 $0x380, s30;
	[tilespmem:s26+$0x8300] =	vst v1  }
0x40: {  	v1 =	vld [tilespmem:s8+$0x0];
	_ =	sdelay $0x4  }
0x41: {  	v1 =	vmul.f32 v1, v0;
	_ =	sdelay $0x1  }
0x42: {  	[tilespmem:s8+$0x8000] =	vst v1  }
0x43: {  	v1 =	vld [tilespmem:s26+$0x1100]  }
0x44: {  	v2 =	vld [tilespmem:s26+$0x1000]  }
0x45: {  	v3 =	vld [tilespmem:s26+$0x1080];
	_ =	sdelay $0x2  }
0x46: {  	v1 =	vmul.f32 v1, v0  }
0x47: {  	v2 =	vmul.f32 v2, v0  }
0x48: {  	v3 =	vmul.f32 v3, v0;
	[tilespmem:s26+$0x9100] =	vst v1  }
0x49: {  	[tilespmem:s26+$0x9000] =	vst v2  }
0x4a: {  	s11 =	sor.u32 $0x1180, s31;
	[tilespmem:s26+$0x9080] =	vst v3  }
0x4b: {  	v1 =	vld [tilespmem:s11+$0x0];
	_ =	sdelay $0x4  }
0x4c: {  	v1 =	vmul.f32 v1, v0;
	_ =	sdelay $0x1  }
0x4d: {  	[tilespmem:s11+$0x8000] =	vst v1  }
0x4e: {  	v1 =	vld [tilespmem:s26+$0x1200]  }
0x4f: {  	v2 =	vld [tilespmem:s26+$0x1280]  }
0x50: {  	v3 =	vld [tilespmem:s26+$0x1300];
	_ =	sdelay $0x2  }
0x51: {  	v1 =	vmul.f32 v1, v0  }
0x52: {  	v2 =	vmul.f32 v2, v0  }
0x53: {  	[tilespmem:s26+$0x9200] =	vst v1;
	v1 =	vmul.f32 v3, v0  }
0x54: {  	[tilespmem:s26+$0x9280] =	vst v2  }
0x55: {  	s12 =	sor.u32 $0x1380, s30;
	[tilespmem:s26+$0x9300] =	vst v1  }
0x56: {  	v1 =	vld [tilespmem:s12+$0x0];
	_ =	sdelay $0x4  }
0x57: {  	v1 =	vmul.f32 v1, v0;
	_ =	sdelay $0x1  }
0x58: {  	[tilespmem:s12+$0x8000] =	vst v1  }
0x59: {  	v1 =	vld [tilespmem:s26+$0x2100]  }
0x5a: {  	v2 =	vld [tilespmem:s26+$0x2000]  }
0x5b: {  	v3 =	vld [tilespmem:s26+$0x2080];
	_ =	sdelay $0x2  }
0x5c: {  	v1 =	vmul.f32 v1, v0  }
0x5d: {  	v2 =	vmul.f32 v2, v0  }
0x5e: {  	v3 =	vmul.f32 v3, v0;
	[tilespmem:s26+$0xA100] =	vst v1  }
0x5f: {  	[tilespmem:s26+$0xA000] =	vst v2  }
0x60: {  	s25 =	sor.u32 $0x2180, s31;
	[tilespmem:s26+$0xA080] =	vst v3  }
0x61: {  	v1 =	vld [tilespmem:s25+$0x0];
	_ =	sdelay $0x4  }
0x62: {  	v1 =	vmul.f32 v1, v0;
	_ =	sdelay $0x1  }
0x63: {  	[tilespmem:s25+$0x8000] =	vst v1  }
0x64: {  	v1 =	vld [tilespmem:s26+$0x2200]  }
0x65: {  	v2 =	vld [tilespmem:s26+$0x2280]  }
0x66: {  	v3 =	vld [tilespmem:s26+$0x2300];
	_ =	sdelay $0x2  }
0x67: {  	v1 =	vmul.f32 v1, v0  }
0x68: {  	v2 =	vmul.f32 v2, v0  }
0x69: {  	[tilespmem:s26+$0xA200] =	vst v1;
	v1 =	vmul.f32 v3, v0  }
0x6a: {  	[tilespmem:s26+$0xA280] =	vst v2  }
0x6b: {  	s4 =	sor.u32 $0x2380, s30;
	[tilespmem:s26+$0xA300] =	vst v1  }
0x6c: {  	v1 =	vld [tilespmem:s4+$0x0];
	_ =	sdelay $0x4  }
0x6d: {  	s2 =	simm.s32 $0xFFFFFE00;
	s0 =	simm.s32 $0x80;
	s25 =	sshll.u32 s24, $0x1;
	v1 =	vmul.f32 v1, v0  }
.LBB2_3:
0x6e: {  	p0 =	sne.s32 s0, $0xF80;
	s29 =	sadd.s32 $0x10, s29;
	s2 =	sadd.s32 $0x10, s2  }
0x6f: {  	s12 =	smov.u32 s0;
	s0 =	sadd.s32 $0x80, s0;
	[tilespmem:s4+$0x8000] =	vst v1  }
0x70: {  	v1 =	vld [tilespmem:s26+$0x3000]  }
0x71: {  	v2 =	vld [tilespmem:s26+$0x3080]  }
0x72: {  	v3 =	vld [tilespmem:s26+$0x3100];
	_ =	sdelay $0x2  }
0x73: {  	v1 =	vmul.f32 v1, v0  }
0x74: {  	v2 =	vmul.f32 v2, v0  }
0x75: {  	[tilespmem:s26+$0xB000] =	vst v1;
	v1 =	vmul.f32 v3, v0  }
0x76: {  	[tilespmem:s26+$0xB080] =	vst v2  }
0x77: {  	s4 =	sor.u32 $0x3180, s31;
	[tilespmem:s26+$0xB100] =	vst v1  }
0x78: {  	v1 =	vld [tilespmem:s4+$0x0]  }
0x79: {  	s31 =	sadd.s32 $0x200, s2  }
0x7a: {  	s7 =	sand.u32 $0x180, s31;
	s8 =	sor.u32 s31, s12  }
0x7b: {  	s31 =	sand.u32 $0x70, s31;
	s7 =	sadd.s32 s7, s28  }
0x7c: {  	s7 =	sadd.s32 s31, s7  }
0x7d: {  	s11 =	sand.u32 $0xC00, s12;
	v1 =	vmul.f32 v1, v0  }
0x7e: {  	s11 =	sor.u32 s31, s11  }
0x7f: {  	[tilespmem:s4+$0x8000] =	vst v1  }
0x80: {  	v1 =	vld [tilespmem:s26+$0x3200]  }
0x81: {  	v2 =	vld [tilespmem:s26+$0x3280]  }
0x82: {  	v3 =	vld [tilespmem:s26+$0x3300];
	_ =	sdelay $0x2  }
0x83: {  	s4 =	sor.u32 $0x3380, s30;
	s30 =	smov.u32 s8;
	v1 =	vmul.f32 v1, v0  }
0x84: {  	v2 =	vmul.f32 v2, v0  }
0x85: {  	[tilespmem:s26+$0xB200] =	vst v1;
	v1 =	vmul.f32 v3, v0  }
0x86: {  	[tilespmem:s26+$0xB280] =	vst v2  }
0x87: {  	[tilespmem:s26+$0xB300] =	vst v1;
	s26 =	smov.u32 s11  }
0x88: {  	v1 =	vld [tilespmem:s4+$0x0];
	_ =	sdelay $0x4  }
0x89: {  	v0 =	vmul.f32 v1, v0;
	_ =	sdelay $0x1  }
0x8a: {  	[tilespmem:s4+$0x8000] =	vst v0  }
0x8b: {  	v0 =	vld [tilespmem:s7+$0x0]  }
0x8c: {  	v1 =	vld [tilespmem:s26+$0x80]  }
0x8d: {  	v2 =	vld [tilespmem:s26+$0x0]  }
0x8e: {  	v3 =	vld [tilespmem:s26+$0x100];
	_ =	sdelay $0x1  }
0x8f: {  	v0 =	vsub.f32 $0.0e+00, v0;
	_ =	sdelay $0x1  }
0x90: {  	v2 =	vmul.f32 v2, v0;
	v1 =	vmul.f32 v1, v0  }
0x91: {  	v3 =	vmul.f32 v3, v0  }
0x92: {  	s4 =	sand.u32 $0xFFFFFC00, s12;
	[tilespmem:s26+$0x8000] =	vst v2  }
0x93: {  	s31 =	sadd.s32 s4, s29;
	[tilespmem:s26+$0x8100] =	vst v3  }
0x94: {  	s4 =	sor.u32 $0x180, s31;
	[tilespmem:s26+$0x8080] =	vst v1  }
0x95: {  	v1 =	vld [tilespmem:s4+$0x0];
	_ =	sdelay $0x4  }
0x96: {  	v1 =	vmul.f32 v1, v0;
	_ =	sdelay $0x1  }
0x97: {  	[tilespmem:s4+$0x8000] =	vst v1  }
0x98: {  	v1 =	vld [tilespmem:s26+$0x200]  }
0x99: {  	v2 =	vld [tilespmem:s26+$0x280]  }
0x9a: {  	v3 =	vld [tilespmem:s26+$0x300];
	_ =	sdelay $0x2  }
0x9b: {  	v1 =	vmul.f32 v1, v0  }
0x9c: {  	v2 =	vmul.f32 v2, v0  }
0x9d: {  	[tilespmem:s26+$0x8200] =	vst v1;
	v1 =	vmul.f32 v3, v0  }
0x9e: {  	[tilespmem:s26+$0x8280] =	vst v2  }
0x9f: {  	s4 =	sor.u32 $0x380, s30;
	[tilespmem:s26+$0x8300] =	vst v1  }
0xa0: {  	v1 =	vld [tilespmem:s4+$0x0];
	_ =	sdelay $0x4  }
0xa1: {  	v1 =	vmul.f32 v1, v0;
	_ =	sdelay $0x1  }
0xa2: {  	[tilespmem:s4+$0x8000] =	vst v1  }
0xa3: {  	v1 =	vld [tilespmem:s26+$0x1100]  }
0xa4: {  	v2 =	vld [tilespmem:s26+$0x1000]  }
0xa5: {  	v3 =	vld [tilespmem:s26+$0x1080];
	_ =	sdelay $0x2  }
0xa6: {  	v1 =	vmul.f32 v1, v0  }
0xa7: {  	v2 =	vmul.f32 v2, v0  }
0xa8: {  	v3 =	vmul.f32 v3, v0;
	[tilespmem:s26+$0x9100] =	vst v1  }
0xa9: {  	[tilespmem:s26+$0x9000] =	vst v2  }
0xaa: {  	s4 =	sor.u32 $0x1180, s31;
	[tilespmem:s26+$0x9080] =	vst v3  }
0xab: {  	v1 =	vld [tilespmem:s4+$0x0];
	_ =	sdelay $0x4  }
0xac: {  	v1 =	vmul.f32 v1, v0;
	_ =	sdelay $0x1  }
0xad: {  	[tilespmem:s4+$0x8000] =	vst v1  }
0xae: {  	v1 =	vld [tilespmem:s26+$0x1200]  }
0xaf: {  	v2 =	vld [tilespmem:s26+$0x1280]  }
0xb0: {  	v3 =	vld [tilespmem:s26+$0x1300];
	_ =	sdelay $0x2  }
0xb1: {  	v1 =	vmul.f32 v1, v0  }
0xb2: {  	v2 =	vmul.f32 v2, v0  }
0xb3: {  	[tilespmem:s26+$0x9200] =	vst v1;
	v1 =	vmul.f32 v3, v0  }
0xb4: {  	[tilespmem:s26+$0x9280] =	vst v2  }
0xb5: {  	s4 =	sor.u32 $0x1380, s30;
	[tilespmem:s26+$0x9300] =	vst v1  }
0xb6: {  	v1 =	vld [tilespmem:s4+$0x0];
	_ =	sdelay $0x4  }
0xb7: {  	v1 =	vmul.f32 v1, v0;
	_ =	sdelay $0x1  }
0xb8: {  	[tilespmem:s4+$0x8000] =	vst v1  }
0xb9: {  	v1 =	vld [tilespmem:s26+$0x2100]  }
0xba: {  	v2 =	vld [tilespmem:s26+$0x2000]  }
0xbb: {  	v3 =	vld [tilespmem:s26+$0x2080];
	_ =	sdelay $0x2  }
0xbc: {  	v1 =	vmul.f32 v1, v0  }
0xbd: {  	v2 =	vmul.f32 v2, v0  }
0xbe: {  	v3 =	vmul.f32 v3, v0;
	[tilespmem:s26+$0xA100] =	vst v1  }
0xbf: {  	[tilespmem:s26+$0xA000] =	vst v2  }
0xc0: {  	s4 =	sor.u32 $0x2180, s31;
	[tilespmem:s26+$0xA080] =	vst v3  }
0xc1: {  	v1 =	vld [tilespmem:s4+$0x0];
	_ =	sdelay $0x4  }
0xc2: {  	v1 =	vmul.f32 v1, v0;
	_ =	sdelay $0x1  }
0xc3: {  	[tilespmem:s4+$0x8000] =	vst v1  }
0xc4: {  	v1 =	vld [tilespmem:s26+$0x2200]  }
0xc5: {  	v2 =	vld [tilespmem:s26+$0x2280]  }
0xc6: {  	v3 =	vld [tilespmem:s26+$0x2300];
	_ =	sdelay $0x2  }
0xc7: {  	v1 =	vmul.f32 v1, v0  }
0xc8: {  	v2 =	vmul.f32 v2, v0  }
0xc9: {  	[tilespmem:s26+$0xA200] =	vst v1;
	v1 =	vmul.f32 v3, v0  }
0xca: {  	[tilespmem:s26+$0xA280] =	vst v2  }
0xcb: {  	s4 =	sor.u32 $0x2380, s30;
	[tilespmem:s26+$0xA300] =	vst v1  }
0xcc: {  	v1 =	vld [tilespmem:s4+$0x0]  }
.Ltmp2:
0xcd: {  	(pc) =	sbr.rel @p0 .LBB2_3-.Ltmp2, $2  }
0xce: {  	_ =	sdelay $0x2  }
0xcf: {  	v1 =	vmul.f32 v1, v0  }
0xd0: {  	_ = 	snop  }
0xd1: {  	[tilespmem:s4+$0x8000] =	vst v1  }
0xd2: {  	v1 =	vld [tilespmem:s26+$0x3000]  }
0xd3: {  	v2 =	vld [tilespmem:s26+$0x3080]  }
0xd4: {  	v3 =	vld [tilespmem:s26+$0x3100];
	_ =	sdelay $0x2  }
0xd5: {  	v1 =	vmul.f32 v1, v0  }
0xd6: {  	v2 =	vmul.f32 v2, v0  }
0xd7: {  	v59 =	vmul.f32 v3, v0;
	[tilespmem:s26+$0xB000] =	vst v1  }
0xd8: {  	[tilespmem:s26+$0xB080] =	vst v2  }
0xd9: {  	s0 =	sor.u32 $0x3180, s31;
	[tilespmem:s26+$0xB100] =	vst v59  }
0xda: {  	v1 =	vld [tilespmem:s0+$0x0];
	_ =	sdelay $0x4  }
0xdb: {  	v1 =	vmul.f32 v1, v0;
	_ =	sdelay $0x1  }
0xdc: {  	[tilespmem:s0+$0x8000] =	vst v1  }
0xdd: {  	v1 =	vld [tilespmem:s26+$0x3200]  }
0xde: {  	v60 =	vld [tilespmem:s26+$0x3280]  }
0xdf: {  	v61 =	vld [tilespmem:s26+$0x3300];
	_ =	sdelay $0x2  }
0xe0: {  	v1 =	vmul.f32 v1, v0  }
0xe1: {  	v2 =	vmul.f32 v60, v0  }
0xe2: {  	v62 =	vmul.f32 v61, v0;
	[tilespmem:s26+$0xB200] =	vst v1  }
0xe3: {  	[tilespmem:s26+$0xB280] =	vst v2  }
0xe4: {  	s30 =	sor.u32 $0x3380, s30;
	[tilespmem:s26+$0xB300] =	vst v62  }
0xe5: {  	v1 =	vld [tilespmem:s30+$0x0];
	_ =	sdelay $0x2  }
0xe6: {  	p0 =	seq.s32 s24, $0x18  }
0xe7: {  	s2 =	sadd.s32 s5, s25;
	p1 =	seq.s32 @!p0 s24, $0x0  }
0xe8: {  	s2 =	sshll.u32 s2, $0x9;
	p1 =	por p0, !p1;
	s0 =	sadd.s32 @!p0 s25, s9;
	v63 =	vmul.f32 v1, v0  }
.Ltmp3:
0xe9: {  	s4 =	simm.s32 @!p0 $0x7A1400;
	s0 =	sshll.u32 @!p0 s0, $0x9;
	(pc) =	sbr.rel @!p1 .LBB2_6-.Ltmp3, $4  }
0xea: {  	s7 =	simm.s32 @!p0 $0x0;
	s31 =	sadd.s32 s3, s2;
	s0 =	sand.u32 @!p0 $0x1FFFFC00, s0;
	[tilespmem:s30+$0x8000] =	vst v63  }
0xeb: {  	[hbm4b:s31+s13] =	stream.strided.scatter [tilespmem:s18], [sflag:$0x3], $0x4000, s14, s13, $0x38;
	[tilespmem:$0x16400] =	vst v63  }
0xec: {  	s2 =	simm.s32 @!p0 $0x1000;
	s0 =	sadd.s32 @!p0 s1, s0;
	s26 =	sor.u32 @!p0 $0x1, s25  }
0xed: {  	[tilespmem:s7], [sflag:$0x1] =	stream.strided.gather @!p0 [hbm4b:s0+s2], $0x4000, s4, s2, $0x38;
	[tilespmem:$0x16400] =	vst v63  }
0xee: {  	_ =	swait.ge [sflag:s22], $0x4000  }
0xef: {  	[sflag:s22] =	ssyncset.done $0x0  }
0xf0: {  	s26 =	simm.s32 @p0 $0x31;
	[sflag:s22] =	ssyncadd.s32 $0xFFFFC000  }
.LBB2_6:
0xf1: {  	s0 =	sshll.u32 s26, $0x9  }
0xf2: {  	s4 =	simm.s32 $0x0;
	s0 =	sand.u32 $0x3FFFFE00, s0  }
0xf3: {  	_ =	swait.ge [sflag:s19], $0x4000;
	s12 =	sand.u32 $0x180, s4;
	s29 =	sadd.s32 $0x10000, s0  }
0xf4: {  	[sflag:s19] =	ssyncset.done $0x0;
	s2 =	sand.u32 $0x70, s4;
	s0 =	sadd.s32 s12, s29  }
0xf5: {  	s30 =	simm.s32 $0x0;
	[sflag:s19] =	ssyncadd.s32 $0xFFFFC000;
	s0 =	sadd.s32 s2, s0  }
0xf6: {  	s7 =	sand.u32 $0xC00, s30;
	v0 =	vld [tilespmem:s0+$0x0]  }
0xf7: {  	s28 =	sor.u32 s2, s7  }
0xf8: {  	v1 =	vld [tilespmem:s28+$0x4000]  }
0xf9: {  	v2 =	vld [tilespmem:s28+$0x4100]  }
0xfa: {  	v3 =	vld [tilespmem:s28+$0x4080]  }
0xfb: {  	v0 =	vsub.f32 $0.0e+00, v0;
	_ =	sdelay $0x1  }
0xfc: {  	v1 =	vmul.f32 v1, v0  }
0xfd: {  	v2 =	vmul.f32 v2, v0  }
0xfe: {  	s6 =	sand.u32 $0xFFFFFC00, s30;
	v3 =	vmul.f32 v3, v0;
	[tilespmem:s28+$0xC000] =	vst v1  }
0xff: {  	s2 =	sadd.s32 $0x0, s6;
	[tilespmem:s28+$0xC100] =	vst v2  }
0x100: {  	s0 =	sor.u32 $0x4180, s2;
	[tilespmem:s28+$0xC080] =	vst v3  }
0x101: {  	v1 =	vld [tilespmem:s0+$0x0];
	_ =	sdelay $0x4  }
0x102: {  	v1 =	vmul.f32 v1, v0;
	_ =	sdelay $0x1  }
0x103: {  	[tilespmem:s0+$0x8000] =	vst v1  }
0x104: {  	v1 =	vld [tilespmem:s28+$0x4200]  }
0x105: {  	v2 =	vld [tilespmem:s28+$0x4280]  }
0x106: {  	v3 =	vld [tilespmem:s28+$0x4300];
	_ =	sdelay $0x2  }
0x107: {  	v1 =	vmul.f32 v1, v0  }
0x108: {  	v2 =	vmul.f32 v2, v0  }
0x109: {  	[tilespmem:s28+$0xC200] =	vst v1;
	v1 =	vmul.f32 v3, v0  }
0x10a: {  	s31 =	sor.u32 s4, s30;
	[tilespmem:s28+$0xC280] =	vst v2  }
0x10b: {  	s7 =	sor.u32 $0x4380, s31;
	[tilespmem:s28+$0xC300] =	vst v1  }
0x10c: {  	v1 =	vld [tilespmem:s7+$0x0];
	_ =	sdelay $0x4  }
0x10d: {  	v1 =	vmul.f32 v1, v0;
	_ =	sdelay $0x1  }
0x10e: {  	[tilespmem:s7+$0x8000] =	vst v1  }
0x10f: {  	v1 =	vld [tilespmem:s28+$0x5100]  }
0x110: {  	v2 =	vld [tilespmem:s28+$0x5000]  }
0x111: {  	v3 =	vld [tilespmem:s28+$0x5080];
	_ =	sdelay $0x2  }
0x112: {  	v1 =	vmul.f32 v1, v0  }
0x113: {  	v2 =	vmul.f32 v2, v0  }
0x114: {  	v3 =	vmul.f32 v3, v0;
	[tilespmem:s28+$0xD100] =	vst v1  }
0x115: {  	[tilespmem:s28+$0xD000] =	vst v2  }
0x116: {  	s8 =	sor.u32 $0x5180, s2;
	[tilespmem:s28+$0xD080] =	vst v3  }
0x117: {  	v1 =	vld [tilespmem:s8+$0x0];
	_ =	sdelay $0x4  }
0x118: {  	v1 =	vmul.f32 v1, v0;
	_ =	sdelay $0x1  }
0x119: {  	[tilespmem:s8+$0x8000] =	vst v1  }
0x11a: {  	v1 =	vld [tilespmem:s28+$0x5200]  }
0x11b: {  	v2 =	vld [tilespmem:s28+$0x5280]  }
0x11c: {  	v3 =	vld [tilespmem:s28+$0x5300];
	_ =	sdelay $0x2  }
0x11d: {  	v1 =	vmul.f32 v1, v0  }
0x11e: {  	v2 =	vmul.f32 v2, v0  }
0x11f: {  	[tilespmem:s28+$0xD200] =	vst v1;
	v1 =	vmul.f32 v3, v0  }
0x120: {  	[tilespmem:s28+$0xD280] =	vst v2  }
0x121: {  	s11 =	sor.u32 $0x5380, s31;
	[tilespmem:s28+$0xD300] =	vst v1  }
0x122: {  	v1 =	vld [tilespmem:s11+$0x0];
	_ =	sdelay $0x4  }
0x123: {  	v1 =	vmul.f32 v1, v0;
	_ =	sdelay $0x1  }
0x124: {  	[tilespmem:s11+$0x8000] =	vst v1  }
0x125: {  	v1 =	vld [tilespmem:s28+$0x6100]  }
0x126: {  	v2 =	vld [tilespmem:s28+$0x6000]  }
0x127: {  	v3 =	vld [tilespmem:s28+$0x6080];
	_ =	sdelay $0x2  }
0x128: {  	v1 =	vmul.f32 v1, v0  }
0x129: {  	v2 =	vmul.f32 v2, v0  }
0x12a: {  	v3 =	vmul.f32 v3, v0;
	[tilespmem:s28+$0xE100] =	vst v1  }
0x12b: {  	[tilespmem:s28+$0xE000] =	vst v2  }
0x12c: {  	s12 =	sor.u32 $0x6180, s2;
	[tilespmem:s28+$0xE080] =	vst v3  }
0x12d: {  	v1 =	vld [tilespmem:s12+$0x0];
	_ =	sdelay $0x4  }
0x12e: {  	v1 =	vmul.f32 v1, v0;
	_ =	sdelay $0x1  }
0x12f: {  	[tilespmem:s12+$0x8000] =	vst v1  }
0x130: {  	v1 =	vld [tilespmem:s28+$0x6200]  }
0x131: {  	v2 =	vld [tilespmem:s28+$0x6280]  }
0x132: {  	v3 =	vld [tilespmem:s28+$0x6300];
	_ =	sdelay $0x2  }
0x133: {  	v1 =	vmul.f32 v1, v0  }
0x134: {  	v2 =	vmul.f32 v2, v0  }
0x135: {  	[tilespmem:s28+$0xE200] =	vst v1;
	v1 =	vmul.f32 v3, v0  }
0x136: {  	[tilespmem:s28+$0xE280] =	vst v2  }
0x137: {  	s4 =	sor.u32 $0x6380, s31;
	[tilespmem:s28+$0xE300] =	vst v1  }
0x138: {  	v1 =	vld [tilespmem:s4+$0x0];
	_ =	sdelay $0x4  }
0x139: {  	s0 =	simm.s32 $0xFFFFFE00;
	s12 =	simm.s32 $0x80;
	v1 =	vmul.f32 v1, v0  }
.LBB2_7:
0x13a: {  	p1 =	sne.s32 s12, $0xF80;
	s30 =	sadd.s32 $0x10, s30;
	s0 =	sadd.s32 $0x10, s0  }
0x13b: {  	[tilespmem:s4+$0x8000] =	vst v1;
	s4 =	smov.u32 s12;
	s12 =	sadd.s32 $0x80, s12  }
0x13c: {  	v1 =	vld [tilespmem:s28+$0x7000]  }
0x13d: {  	v2 =	vld [tilespmem:s28+$0x7080]  }
0x13e: {  	v3 =	vld [tilespmem:s28+$0x7100];
	_ =	sdelay $0x2  }
0x13f: {  	v1 =	vmul.f32 v1, v0  }
0x140: {  	v2 =	vmul.f32 v2, v0  }
0x141: {  	[tilespmem:s28+$0xF000] =	vst v1;
	v1 =	vmul.f32 v3, v0  }
0x142: {  	[tilespmem:s28+$0xF080] =	vst v2  }
0x143: {  	s2 =	sor.u32 $0x7180, s2;
	[tilespmem:s28+$0xF100] =	vst v1  }
0x144: {  	v1 =	vld [tilespmem:s2+$0x0]  }
0x145: {  	s7 =	sadd.s32 $0x200, s0  }
0x146: {  	s8 =	sand.u32 $0x180, s7;
	s11 =	sor.u32 s7, s4  }
0x147: {  	s7 =	sand.u32 $0x70, s7;
	s8 =	sadd.s32 s8, s29  }
0x148: {  	s8 =	sadd.s32 s7, s8  }
0x149: {  	s6 =	sand.u32 $0xC00, s4;
	v1 =	vmul.f32 v1, v0  }
0x14a: {  	s6 =	sor.u32 s7, s6  }
0x14b: {  	[tilespmem:s2+$0x8000] =	vst v1  }
0x14c: {  	v1 =	vld [tilespmem:s28+$0x7200]  }
0x14d: {  	v2 =	vld [tilespmem:s28+$0x7280]  }
0x14e: {  	v3 =	vld [tilespmem:s28+$0x7300];
	_ =	sdelay $0x2  }
0x14f: {  	s2 =	sor.u32 $0x7380, s31;
	s31 =	smov.u32 s11;
	v1 =	vmul.f32 v1, v0  }
0x150: {  	v2 =	vmul.f32 v2, v0  }
0x151: {  	[tilespmem:s28+$0xF200] =	vst v1;
	v1 =	vmul.f32 v3, v0  }
0x152: {  	[tilespmem:s28+$0xF280] =	vst v2  }
0x153: {  	[tilespmem:s28+$0xF300] =	vst v1;
	s28 =	smov.u32 s6  }
0x154: {  	v1 =	vld [tilespmem:s2+$0x0];
	_ =	sdelay $0x4  }
0x155: {  	v0 =	vmul.f32 v1, v0;
	_ =	sdelay $0x1  }
0x156: {  	[tilespmem:s2+$0x8000] =	vst v0  }
0x157: {  	v0 =	vld [tilespmem:s8+$0x0]  }
0x158: {  	v1 =	vld [tilespmem:s28+$0x4080]  }
0x159: {  	v2 =	vld [tilespmem:s28+$0x4000]  }
0x15a: {  	v3 =	vld [tilespmem:s28+$0x4100];
	_ =	sdelay $0x1  }
0x15b: {  	v0 =	vsub.f32 $0.0e+00, v0;
	_ =	sdelay $0x1  }
0x15c: {  	v2 =	vmul.f32 v2, v0;
	v1 =	vmul.f32 v1, v0  }
0x15d: {  	v3 =	vmul.f32 v3, v0  }
0x15e: {  	s2 =	sand.u32 $0xFFFFFC00, s4;
	[tilespmem:s28+$0xC000] =	vst v2  }
0x15f: {  	s2 =	sadd.s32 s2, s30;
	[tilespmem:s28+$0xC100] =	vst v3  }
0x160: {  	s4 =	sor.u32 $0x4180, s2;
	[tilespmem:s28+$0xC080] =	vst v1  }
0x161: {  	v1 =	vld [tilespmem:s4+$0x0];
	_ =	sdelay $0x4  }
0x162: {  	v1 =	vmul.f32 v1, v0;
	_ =	sdelay $0x1  }
0x163: {  	[tilespmem:s4+$0x8000] =	vst v1  }
0x164: {  	v1 =	vld [tilespmem:s28+$0x4200]  }
0x165: {  	v2 =	vld [tilespmem:s28+$0x4280]  }
0x166: {  	v3 =	vld [tilespmem:s28+$0x4300];
	_ =	sdelay $0x2  }
0x167: {  	v1 =	vmul.f32 v1, v0  }
0x168: {  	v2 =	vmul.f32 v2, v0  }
0x169: {  	[tilespmem:s28+$0xC200] =	vst v1;
	v1 =	vmul.f32 v3, v0  }
0x16a: {  	[tilespmem:s28+$0xC280] =	vst v2  }
0x16b: {  	s4 =	sor.u32 $0x4380, s31;
	[tilespmem:s28+$0xC300] =	vst v1  }
0x16c: {  	v1 =	vld [tilespmem:s4+$0x0];
	_ =	sdelay $0x4  }
0x16d: {  	v1 =	vmul.f32 v1, v0;
	_ =	sdelay $0x1  }
0x16e: {  	[tilespmem:s4+$0x8000] =	vst v1  }
0x16f: {  	v1 =	vld [tilespmem:s28+$0x5100]  }
0x170: {  	v2 =	vld [tilespmem:s28+$0x5000]  }
0x171: {  	v3 =	vld [tilespmem:s28+$0x5080];
	_ =	sdelay $0x2  }
0x172: {  	v1 =	vmul.f32 v1, v0  }
0x173: {  	v2 =	vmul.f32 v2, v0  }
0x174: {  	v3 =	vmul.f32 v3, v0;
	[tilespmem:s28+$0xD100] =	vst v1  }
0x175: {  	[tilespmem:s28+$0xD000] =	vst v2  }
0x176: {  	s4 =	sor.u32 $0x5180, s2;
	[tilespmem:s28+$0xD080] =	vst v3  }
0x177: {  	v1 =	vld [tilespmem:s4+$0x0];
	_ =	sdelay $0x4  }
0x178: {  	v1 =	vmul.f32 v1, v0;
	_ =	sdelay $0x1  }
0x179: {  	[tilespmem:s4+$0x8000] =	vst v1  }
0x17a: {  	v1 =	vld [tilespmem:s28+$0x5200]  }
0x17b: {  	v2 =	vld [tilespmem:s28+$0x5280]  }
0x17c: {  	v3 =	vld [tilespmem:s28+$0x5300];
	_ =	sdelay $0x2  }
0x17d: {  	v1 =	vmul.f32 v1, v0  }
0x17e: {  	v2 =	vmul.f32 v2, v0  }
0x17f: {  	[tilespmem:s28+$0xD200] =	vst v1;
	v1 =	vmul.f32 v3, v0  }
0x180: {  	[tilespmem:s28+$0xD280] =	vst v2  }
0x181: {  	s4 =	sor.u32 $0x5380, s31;
	[tilespmem:s28+$0xD300] =	vst v1  }
0x182: {  	v1 =	vld [tilespmem:s4+$0x0];
	_ =	sdelay $0x4  }
0x183: {  	v1 =	vmul.f32 v1, v0;
	_ =	sdelay $0x1  }
0x184: {  	[tilespmem:s4+$0x8000] =	vst v1  }
0x185: {  	v1 =	vld [tilespmem:s28+$0x6100]  }
0x186: {  	v2 =	vld [tilespmem:s28+$0x6000]  }
0x187: {  	v3 =	vld [tilespmem:s28+$0x6080];
	_ =	sdelay $0x2  }
0x188: {  	v1 =	vmul.f32 v1, v0  }
0x189: {  	v2 =	vmul.f32 v2, v0  }
0x18a: {  	v3 =	vmul.f32 v3, v0;
	[tilespmem:s28+$0xE100] =	vst v1  }
0x18b: {  	[tilespmem:s28+$0xE000] =	vst v2  }
0x18c: {  	s4 =	sor.u32 $0x6180, s2;
	[tilespmem:s28+$0xE080] =	vst v3  }
0x18d: {  	v1 =	vld [tilespmem:s4+$0x0];
	_ =	sdelay $0x4  }
0x18e: {  	v1 =	vmul.f32 v1, v0;
	_ =	sdelay $0x1  }
0x18f: {  	[tilespmem:s4+$0x8000] =	vst v1  }
0x190: {  	v1 =	vld [tilespmem:s28+$0x6200]  }
0x191: {  	v2 =	vld [tilespmem:s28+$0x6280]  }
0x192: {  	v3 =	vld [tilespmem:s28+$0x6300];
	_ =	sdelay $0x2  }
0x193: {  	v1 =	vmul.f32 v1, v0  }
0x194: {  	v2 =	vmul.f32 v2, v0  }
0x195: {  	[tilespmem:s28+$0xE200] =	vst v1;
	v1 =	vmul.f32 v3, v0  }
0x196: {  	[tilespmem:s28+$0xE280] =	vst v2  }
0x197: {  	s4 =	sor.u32 $0x6380, s31;
	[tilespmem:s28+$0xE300] =	vst v1  }
0x198: {  	v1 =	vld [tilespmem:s4+$0x0]  }
.Ltmp4:
0x199: {  	(pc) =	sbr.rel @p1 .LBB2_7-.Ltmp4, $2  }
0x19a: {  	_ =	sdelay $0x2  }
0x19b: {  	v1 =	vmul.f32 v1, v0  }
0x19c: {  	_ = 	snop  }
0x19d: {  	[tilespmem:s4+$0x8000] =	vst v1  }
0x19e: {  	v1 =	vld [tilespmem:s28+$0x7000]  }
0x19f: {  	v2 =	vld [tilespmem:s28+$0x7080]  }
0x1a0: {  	v3 =	vld [tilespmem:s28+$0x7100];
	_ =	sdelay $0x2  }
0x1a1: {  	v1 =	vmul.f32 v1, v0  }
0x1a2: {  	v2 =	vmul.f32 v2, v0  }
0x1a3: {  	v59 =	vmul.f32 v3, v0;
	[tilespmem:s28+$0xF000] =	vst v1  }
0x1a4: {  	[tilespmem:s28+$0xF080] =	vst v2  }
0x1a5: {  	s0 =	sor.u32 $0x7180, s2;
	[tilespmem:s28+$0xF100] =	vst v59  }
0x1a6: {  	v1 =	vld [tilespmem:s0+$0x0];
	_ =	sdelay $0x4  }
0x1a7: {  	v1 =	vmul.f32 v1, v0;
	_ =	sdelay $0x1  }
0x1a8: {  	[tilespmem:s0+$0x8000] =	vst v1  }
0x1a9: {  	v1 =	vld [tilespmem:s28+$0x7200]  }
0x1aa: {  	v60 =	vld [tilespmem:s28+$0x7280]  }
0x1ab: {  	v61 =	vld [tilespmem:s28+$0x7300];
	_ =	sdelay $0x2  }
0x1ac: {  	v1 =	vmul.f32 v1, v0  }
0x1ad: {  	v2 =	vmul.f32 v60, v0  }
0x1ae: {  	v62 =	vmul.f32 v61, v0;
	[tilespmem:s28+$0xF200] =	vst v1  }
0x1af: {  	[tilespmem:s28+$0xF280] =	vst v2  }
0x1b0: {  	s29 =	sor.u32 $0x7380, s31;
	[tilespmem:s28+$0xF300] =	vst v62  }
0x1b1: {  	v1 =	vld [tilespmem:s29+$0x0];
	_ =	sdelay $0x3  }
.Ltmp5:
0x1b2: {  	s30 =	sadd.s32 s5, s26;
	(pc) =	sbr.rel @p0 .LBB2_10-.Ltmp5, $4  }
0x1b3: {  	s2 =	sshll.u32 s30, $0x9;
	v63 =	vmul.f32 v1, v0  }
0x1b4: {  	s2 =	sand.u32 $0x1FFFFE00, s2  }
0x1b5: {  	s31 =	sadd.s32 s3, s2;
	[tilespmem:s29+$0x8000] =	vst v63  }
0x1b6: {  	[hbm4b:s31+s13] =	stream.strided.scatter [tilespmem:s20], [sflag:$0x4], $0x4000, s14, s13, $0x38;
	[tilespmem:$0x16400] =	vst v63  }
.Ltmp6:
0x1b7: {  	s0 =	sadd.s32 s25, s10;
	(pc) =	sbr.rel .LBB2_2-.Ltmp6, $4  }
0x1b8: {  	s0 =	sshll.u32 s0, $0x9  }
0x1b9: {  	s0 =	sand.u32 $0x1FFFFE00, s0  }
0x1ba: {  	s24 =	sadd.s32 $0x1, s24;
	s0 =	sadd.s32 s1, s0  }
0x1bb: {  	[tilespmem:s15], [sflag:$0x2] =	stream.strided.gather [hbm4b:s0+s13], $0x4000, s14, s13, $0x38;
	[tilespmem:$0x16400] =	vst v63  }
.LBB2_11:
0x1bc: {  	_ =	sfence.sel $0x180000  }
0x1bd: {  	[bflag:$0x0] =	sbarrier.arrive $0xFFFF  }
0x1be: {  	_ =	strace $0x90000047  }
0x1bf: {  	s0 =	stileid.u32;
	[bflag:$0x2] =	sbarrier.arrive $0xFFFF  }
0x1c0: {  	p0 =	sne.s32 s0, $0x0;
	s0 =	rddreg [dreg:$0x3]  }
0x1c1: {  	s0 =	sadd.s32 @!p0 $0x100000, s0  }
0x1c2: {  	[sflag:s0] =	ssyncadd.tile.s32 @!p0 $0x1;
	_ =	shalt  }
.Lfunc_end2:
_tile_overlayer_lowered:
.L_overlay_start_2:
0x1c3: {  	(tag) =	ssettag $0x2  }
0x1c4: {  	s0 =	rddreg [dreg:$0x0];
	s2 =	stileid.u32  }
0x1c5: {  	s1 =	rddreg [dreg:$0x1];
	p0 =	sne.s32 s2, $0x0  }
0x1c6: {  	s3 =	rddreg [dreg:$0x2];
	[bflag:$0x3] =	sbarrier.arrive $0xFFFF;
	s2 =	simm.s32 @!p0 $0x1C06  }
0x1c7: {  	[timem:s3], [sflag:s2] =	dma.local @!p0 [hbm:s0], s1  }
0x1c8: {  	s0 =	simm.s32 @!p0 $0x6  }
0x1c9: {  	_ =	swait.ge @!p0 [sflag:s0], s1  }
0x1ca: {  	s1 =	ssub.s32 @!p0 $0x0, s1;
	[sflag:s0] =	ssyncset.done @!p0 $0x0  }
0x1cb: {  	[sflag:s0] =	ssyncadd.s32 @!p0 s1  }
0x1cc: {  	[bflag:$0x3] =	sbarrier.arrive $0xFFFF  }
0x1cd: {  	_ =	shalt  }

</sc_bundles>
